<compile_context>
chip_gen: v7x
topology: tpu7x:2x2x1
jax: 0.10.2.dev20260603
libtpu: 0.0.44.dev20260713+nightly
codegen_flags: <defaults>
</compile_context>

<pallas_src>
import functools

import jax
import jax.numpy as jnp
from jax import lax
from jax.experimental import pallas as pl
from jax.experimental.pallas import tpu as pltpu
from jax.experimental.pallas import tpu_sc as plsc

N = 100000
D = 128
B = 4096
K = 32
CMAX = 1024
NEG_SLOPE = 0.2




NC, NS = 2, 16
NW = NC * NS
GCH = 256


def _gather_add(nf, mem, idx):
    BK = idx.shape[0]
    rows_w = BK // NW
    mesh = plsc.VectorSubcoreMesh(core_axis_name="c", subcore_axis_name="s", num_cores=NC, num_subcores=NS)

    @functools.partial(
        pl.kernel, mesh=mesh,
        out_type=jax.ShapeDtypeStruct((BK, D), jnp.float32),
        scratch_types=[
            pltpu.VMEM((GCH,), jnp.int32),
            pltpu.VMEM((GCH, D), jnp.float32),
            pltpu.VMEM((GCH, D), jnp.float32),
            pltpu.SemaphoreType.DMA,
            pltpu.SemaphoreType.DMA,
        ],
    )
    def k(nf_hbm, mem_hbm, idx_hbm, out_hbm, idx_v, a_v, b_v, sem1, sem2):
        wid = lax.axis_index("s") * NC + lax.axis_index("c")
        @pl.loop(0, rows_w // GCH)
        def _chunk(ci):
            base = wid * rows_w + ci * GCH
            pltpu.sync_copy(idx_hbm.at[pl.ds(base, GCH)], idx_v)
            cp1 = pltpu.async_copy(nf_hbm.at[idx_v], a_v, sem1)
            cp2 = pltpu.async_copy(mem_hbm.at[idx_v], b_v, sem2)
            cp1.wait()
            cp2.wait()
            @pl.loop(0, GCH)
            def _row(r):
                for g in range(D // 16):
                    sl = pl.ds(g * 16, 16)
                    a_v[r, sl] = a_v[r, sl] + b_v[r, sl]
            pltpu.sync_copy(a_v, out_hbm.at[pl.ds(base, GCH)])

    return k(nf, mem, idx)



def _row_scatters(p, cf, neighbors, usn, member_score, community_embeddings,
                  community2node, member_num2d):

    def body(usn_ref, p_ref, cf_ref, nbr_ref, ms_in, ce_in, c2n_in, mn_in,
             ms_ref, ce_ref, c2n_ref, mn_ref):
        ms_ref[...] = p_ref[...]
        ce_ref[...] = cf_ref[...]
        c2n_ref[...] = nbr_ref[...]
        mn_ref[...] = jnp.full((1, 1, 1), K - 1, jnp.int32)

    grid_spec = pltpu.PrefetchScalarGridSpec(
        num_scalar_prefetch=1,
        grid=(B,),
        in_specs=[
            pl.BlockSpec((1, 1, K), lambda b, usn_ref: (b, 0, 0)),
            pl.BlockSpec((1, 1, D), lambda b, usn_ref: (b, 0, 0)),
            pl.BlockSpec((1, 1, K), lambda b, usn_ref: (b, 0, 0)),
            pl.BlockSpec(memory_space=pl.ANY),
            pl.BlockSpec(memory_space=pl.ANY),
            pl.BlockSpec(memory_space=pl.ANY),
            pl.BlockSpec(memory_space=pl.ANY),
        ],
        out_specs=[
            pl.BlockSpec((1, 1, K), lambda b, usn_ref: (usn_ref[b], 0, 0)),
            pl.BlockSpec((1, 1, D), lambda b, usn_ref: (usn_ref[b], 0, 0)),
            pl.BlockSpec((1, 1, K), lambda b, usn_ref: (usn_ref[b], 0, 0)),
            pl.BlockSpec((1, 1, 1), lambda b, usn_ref: (usn_ref[b], 0, 0)),
        ],
    )
    return pl.pallas_call(
        body,
        grid_spec=grid_spec,
        out_shape=[
            jax.ShapeDtypeStruct((N, 1, K), jnp.float32),
            jax.ShapeDtypeStruct((N, 1, D), jnp.float32),
            jax.ShapeDtypeStruct((N, 1, K), jnp.int32),
            jax.ShapeDtypeStruct((N, 1, 1), jnp.int32),
        ],
        input_output_aliases={4: 0, 5: 1, 6: 2, 7: 3},
    )(usn, p.reshape(B, 1, K), cf.reshape(B, 1, D), neighbors.reshape(B, 1, K),
      member_score.reshape(N, 1, K), community_embeddings.reshape(N, 1, D),
      community2node.reshape(N, 1, K), member_num2d)


BBLK = 256


def _attn_body(feat_ref, wmax_ref, bmax_ref, wscore_ref, bscore_ref,
               ex_ref, s_ref):
    ft = feat_ref[...]
    fr = ft.reshape(BBLK, K, D)
    mx = fr.max(axis=1)
    max_lin = mx @ wmax_ref[...] + bmax_ref[...][None, :]
    dup = jnp.broadcast_to(max_lin[:, None, :], (BBLK, K, D)).reshape(BBLK * K, D)
    cat = jnp.concatenate([dup, ft], axis=1)
    sc = cat @ wscore_ref[...] + bscore_ref[...][None, :]
    sc = jnp.where(sc >= 0, sc, NEG_SLOPE * sc)
    sk = sc.reshape(BBLK, K)
    m = sk.max(axis=1, keepdims=True)
    ex_ref[...] = jnp.exp(sk - m)
    s_ref[...] = sk


def _attn(feat, W_max, b_max, W_score, b_score):
    return pl.pallas_call(
        _attn_body,
        grid=(B // BBLK,),
        in_specs=[
            pl.BlockSpec((BBLK * K, D), lambda i: (i, 0)),
            pl.BlockSpec((D, D), lambda i: (0, 0)),
            pl.BlockSpec((D,), lambda i: (0,)),
            pl.BlockSpec((2 * D, 1), lambda i: (0, 0)),
            pl.BlockSpec((1,), lambda i: (0,)),
        ],
        out_specs=[
            pl.BlockSpec((BBLK, K), lambda i: (i, 0)),
            pl.BlockSpec((BBLK, K), lambda i: (i, 0)),
        ],
        out_shape=[
            jax.ShapeDtypeStruct((B, K), jnp.float32),
            jax.ShapeDtypeStruct((B, K), jnp.float32),
        ],
    )(feat, W_max, b_max, W_score, b_score)


def kernel(node_features, memory_table, community_embeddings, unique_source_nodes, neighbors, community_score, community_index, member_score, node2community, community2node, member_num, W_max, b_max, W_score, b_score, W_fit, b_fit):
    usn = unique_source_nodes
    nbr_flat = neighbors.reshape(-1)

    eq = usn[None, :] == usn[:, None]
    later = jnp.triu(eq, k=1)
    is_last = ~later.any(axis=1)

    feat = _gather_add(node_features, memory_table, nbr_flat)

    ex, _s = _attn(feat, W_max, b_max, W_score, b_score)
    seg = jnp.repeat(jnp.arange(B), K)
    ex_flat = ex.reshape(-1)
    ss = jax.ops.segment_sum(ex_flat, seg, num_segments=B)
    p_flat = ex_flat / (ss[seg] + 1e-16)
    p = p_flat.reshape(B, K)
    cf = jax.ops.segment_sum(feat * p_flat[:, None], seg, num_segments=B)
    fit = jax.nn.sigmoid(cf @ W_fit + b_fit).reshape(-1)

    ms_out, ce_out, c2n_out, mn2d = _row_scatters(
        p, cf, neighbors, usn, member_score, community_embeddings,
        community2node, member_num.reshape(N, 1, 1))
    member_score_out = ms_out.reshape(N, K)
    ce_out = ce_out.reshape(N, D)
    c2n_out = c2n_out.reshape(N, K)
    mn_out = mn2d.reshape(N)

    valid = is_last & (usn >= CMAX)
    cand_val = jnp.concatenate([community_score,
                                jnp.where(valid, fit, -1.0)])
    cand_id = jnp.concatenate([jnp.arange(CMAX, dtype=jnp.int32),
                               jnp.where(valid, usn, N + jnp.arange(B, dtype=jnp.int32))])
    better = (cand_val[None, :] > cand_val[:, None]) | (
        (cand_val[None, :] == cand_val[:, None]) & (cand_id[None, :] < cand_id[:, None]))
    rank = better.sum(axis=1).astype(jnp.int32)
    rtgt = jnp.where(rank < CMAX, rank, CMAX)
    out_score = jnp.zeros((CMAX,), jnp.float32).at[rtgt].set(cand_val, mode='drop')
    out_index = jnp.zeros((CMAX,), jnp.int32).at[rtgt].set(cand_id, mode='drop')

    survived = (usn[:, None] == out_index[None, :]).any(axis=1)
    bw_val = jnp.where(survived, jnp.arange(B, dtype=jnp.int32) + 1, 0)
    bwin = jnp.zeros((N,), jnp.int32).at[nbr_flat].max(jnp.repeat(bw_val, K))
    n2c_out = jnp.where(bwin > 0, usn[jnp.maximum(bwin - 1, 0)].astype(node2community.dtype),
                        node2community)

    return (ce_out, out_score, out_index, member_score_out, n2c_out, c2n_out, mn_out)

# --- scband reference (transcript-rebuilt; emitter-appended) ---
"""Pipeline reference for scband-community-detector-44899588112467 (READ-ONLY COPY).

The authoritative reference and input builder live on the scoring server;
editing this copy changes nothing except your own understanding.
"""

import jax, jax.numpy as jnp
import numpy as np

N = 100000
D = 128
B = 4096
K = 32
CMAX = 1024
NEG_SLOPE = 0.2


def leaky_relu(x, slope):
    return jnp.where(x >= 0, x, slope * x)


def setup_inputs(seed: int = 0) -> dict:
    key = jax.random.key(seed)
    ks = jax.random.split(key, 12)
    node_features = jax.random.normal(ks[0], (N, D), dtype=jnp.float32)
    memory_table = jax.random.normal(ks[1], (N, D), dtype=jnp.float32)
    community_embeddings = jax.random.normal(ks[2], (N, D), dtype=jnp.float32)
    unique_source_nodes = jax.random.randint(ks[3], (B,), 0, N)
    neighbors = jax.random.randint(ks[4], (B, K), 0, N)
    community_score = jax.random.uniform(ks[5], (CMAX,), dtype=jnp.float32)
    community_index = jnp.arange(CMAX)
    member_score = jnp.zeros((N, K), dtype=jnp.float32)
    node2community = jnp.zeros((N,), dtype=jnp.int32)
    community2node = jnp.zeros((N, K), dtype=jnp.int32)
    member_num = jnp.zeros((N,), dtype=jnp.int32)
    W_max = jax.random.normal(ks[6], (D, D), dtype=jnp.float32) * 0.05
    b_max = jnp.zeros((D,), dtype=jnp.float32)
    W_score = jax.random.normal(ks[7], (2 * D, 1), dtype=jnp.float32) * 0.05
    b_score = jnp.zeros((1,), dtype=jnp.float32)
    W_fit = jax.random.normal(ks[8], (D, 1), dtype=jnp.float32) * 0.05
    b_fit = jnp.zeros((1,), dtype=jnp.float32)
    return {
        'node_features': node_features,
        'memory_table': memory_table,
        'community_embeddings': community_embeddings,
        'unique_source_nodes': unique_source_nodes,
        'neighbors': neighbors,
        'community_score': community_score,
        'community_index': community_index,
        'member_score': member_score,
        'node2community': node2community,
        'community2node': community2node,
        'member_num': member_num,
        'W_max': W_max,
        'b_max': b_max,
        'W_score': W_score,
        'b_score': b_score,
        'W_fit': W_fit,
        'b_fit': b_fit,
    }


def reference(node_features, memory_table, community_embeddings, unique_source_nodes,
              neighbors, community_score, community_index, member_score,
              node2community, community2node, member_num,
              W_max, b_max, W_score, b_score, W_fit, b_fit):
    # community_layer == 1 path of CommunityDetector.forward, with each of the B
    # source nodes having exactly K = max_member_num neighbors (dense neighbor_bool).
    neighbors_flat = neighbors.reshape(-1)                     # [B*K]
    index_source_nodes = jnp.repeat(jnp.arange(B), K)          # segment ids [B*K]
    source_nodes = unique_source_nodes[index_source_nodes]     # [B*K]

    # neighbors_features = node_features[nbr] + memory.get_memory(nbr).detach()
    mem = jax.lax.stop_gradient(memory_table)
    neighbors_features = node_features[neighbors_flat] + mem[neighbors_flat]  # [B*K, D]

    # scatter_max over source segments, then linear
    max_feature = jax.ops.segment_max(neighbors_features, index_source_nodes, num_segments=B)
    max_feature_linear = max_feature @ W_max + b_max
    max_feature_dup = max_feature_linear[index_source_nodes]

    center_feature_cat = jnp.concatenate([max_feature_dup, neighbors_features], axis=-1)
    score = leaky_relu(center_feature_cat @ W_score + b_score, NEG_SLOPE)[:, 0]  # [B*K]

    # segment softmax (softmax(src=score, index=source_nodes))
    seg_max = jax.ops.segment_max(score, index_source_nodes, num_segments=B)
    ex = jnp.exp(score - seg_max[index_source_nodes])
    seg_sum = jax.ops.segment_sum(ex, index_source_nodes, num_segments=B)
    score_sm = ex / (seg_sum[index_source_nodes] + 1e-16)

    # member_score / community2node / member_num scatter writes
    score_tensor = score_sm.reshape(B, K)
    member_score = member_score.at[unique_source_nodes].set(score_tensor)
    community2node = community2node.at[unique_source_nodes].set(neighbors.astype(community2node.dtype))
    member_num = member_num.at[unique_source_nodes].set(K - 1)

    # weighted scatter_add -> community embeddings
    score_feature = neighbors_features * score_sm[:, None]
    cluster_feature = jax.ops.segment_sum(score_feature, index_source_nodes, num_segments=B)
    community_embeddings = community_embeddings.at[unique_source_nodes].set(cluster_feature)

    # community score calculator (linear -> sigmoid)
    fitness = jax.nn.sigmoid(cluster_feature @ W_fit + b_fit).reshape(-1)  # [B]

    # merge with existing community scores
    fit_cat = jnp.concatenate([fitness, community_score])
    idx_cat = jnp.concatenate([unique_source_nodes, community_index])
    uniq_idx, inv = jnp.unique(idx_cat, return_inverse=True, size=B + CMAX, fill_value=N)
    uniq_fit = jnp.zeros((uniq_idx.shape[0],), dtype=fit_cat.dtype).at[inv.reshape(-1)].set(fit_cat)
    if uniq_idx.shape[0] < CMAX:
        out_community_score = uniq_fit
        out_community_index = uniq_idx
    else:
        _, top_ind = jax.lax.top_k(uniq_fit, CMAX)
        out_community_score = uniq_fit[top_ind]
        out_community_index = uniq_idx[top_ind]

    # node2community update for neighbors whose source survived top-k
    true_index = jnp.isin(source_nodes, out_community_index)
    change_idx = jnp.where(true_index, neighbors_flat, N)
    node2community = node2community.at[change_idx].set(source_nodes.astype(node2community.dtype), mode='drop')

    return (community_embeddings, out_community_score, out_community_index,
            member_score, node2community, community2node, member_num)

if __name__ == "__main__":
    import jax
    _d = setup_inputs()
    print(jax.jit(kernel)(*tuple(_d.values())))

</pallas_src>

<mosaic_0001>
#map = affine_map<(d0, d1) -> (0, 0)>
#map1 = affine_map<(d0, d1) -> (0)>
module attributes {stable_mosaic.version = 14 : i64} {
  func.func @k(%arg0: i32, %arg1: i32, %arg2: memref<100000x128xf32, #tpu.memory_space<hbm>>, %arg3: memref<100000x128xf32, #tpu.memory_space<hbm>>, %arg4: memref<131072xi32, #tpu.memory_space<hbm>>, %arg5: memref<131072x128xf32, #tpu.memory_space<hbm>>, %arg6: memref<256xi32, #tpu.memory_space<vmem>>, %arg7: memref<256x128xf32, #tpu.memory_space<vmem>>, %arg8: memref<256x128xf32, #tpu.memory_space<vmem>>, %arg9: memref<!tpu.dma_semaphore, #tpu.memory_space<semaphore_mem>>, %arg10: memref<!tpu.dma_semaphore, #tpu.memory_space<semaphore_mem>>) attributes {dimension_semantics = [#tpu.dimension_semantics<core_parallel>, #tpu.dimension_semantics<subcore_parallel>], iteration_bounds = array<i64: 2, 16>, scalar_prefetch = 0 : i64, scratch_operands = 5 : i64, tpu.core_type = #tpu.core_type<sc_vector_subcore>, window_params = [{transform_indices = #map}, {transform_indices = #map}, {transform_indices = #map1}, {transform_indices = #map}]} {
    %mul3A = arith.constant 2 : i32
    %mul3A_0 = arith.muli %arg1, %mul3A : i32
    %add3A = arith.addi %mul3A_0, %arg0 : i32
    %scan3A = arith.constant 0 : i32
    %scan3A_1 = arith.constant 16 : i32
    %scan3A_2 = arith.addi %scan3A, %scan3A_1 : i32
    %scan3A_3 = arith.constant 1 : i32
    scf.for %scan3A_5 = %scan3A to %scan3A_2 step %scan3A_3  : i32 {
      %mul3A_6 = arith.constant 1 : i32
      %mul3A_7 = arith.muli %scan3A_5, %mul3A_6 : i32
      %add3A_8 = arith.constant 0 : i32
      %add3A_9 = arith.addi %add3A_8, %mul3A_7 : i32
      %mul3A_10 = arith.constant 4096 : i32
      %mul3A_11 = arith.muli %add3A, %mul3A_10 : i32
      %mul3A_12 = arith.constant 256 : i32
      %mul3A_13 = arith.muli %add3A_9, %mul3A_12 : i32
      %add3A_14 = arith.addi %mul3A_11, %mul3A_13 : i32
      "tpu.region"() ({
        %run_scoped3A = tpu.sem_alloc : memref<!tpu.dma_semaphore, #tpu.memory_space<semaphore_mem>>
        %dma_start3A_30 = tpu.memref_slice %arg4[%add3A_14] : memref<131072xi32, #tpu.memory_space<hbm>> -> memref<256xi32, #tpu.memory_space<hbm>>
        %dma_start3A_31 = tpu.memref_slice %arg4[%add3A_14] : memref<131072xi32, #tpu.memory_space<hbm>> -> memref<256xi32, #tpu.memory_space<hbm>>
        tpu.enqueue_dma source(%dma_start3A_31 : memref<256xi32, #tpu.memory_space<hbm>>) target(%arg6 : memref<256xi32, #tpu.memory_space<vmem>>) target_semaphore(%run_scoped3A : memref<!tpu.dma_semaphore, #tpu.memory_space<semaphore_mem>>)
        %dma_wait3A_32 = tpu.memref_slice %arg4[%add3A_14] : memref<131072xi32, #tpu.memory_space<hbm>> -> memref<256xi32, #tpu.memory_space<hbm>>
        %dma_wait3A_33 = tpu.memref_slice %arg4[%add3A_14] : memref<131072xi32, #tpu.memory_space<hbm>> -> memref<256xi32, #tpu.memory_space<hbm>>
        tpu.wait_dma2 semaphore(%run_scoped3A : memref<!tpu.dma_semaphore, #tpu.memory_space<semaphore_mem>>) src(%dma_wait3A_33 : memref<256xi32, #tpu.memory_space<hbm>>) dst(%arg6 : memref<256xi32, #tpu.memory_space<vmem>>)
        tpu.yield
      }) : () -> ()
      %dma_start3A = arith.constant 0 : i32
      %dma_start3A_15 = arith.constant 0 : i32
      %dma_start3A_16 = tpu.memref_slice %arg2[%dma_start3A, %dma_start3A_15] : memref<100000x128xf32, #tpu.memory_space<hbm>> -> memref<100000x128xf32, #tpu.memory_space<hbm>>
      tpu.enqueue_indirect_dma source(%dma_start3A_16 : memref<100000x128xf32, #tpu.memory_space<hbm>>) target(%arg7 : memref<256x128xf32, #tpu.memory_space<vmem>>) offsets(%arg6 : memref<256xi32, #tpu.memory_space<vmem>>) semaphore(%arg9 : memref<!tpu.dma_semaphore, #tpu.memory_space<semaphore_mem>>)
      %dma_start3A_17 = arith.constant 0 : i32
      %dma_start3A_18 = arith.constant 0 : i32
      %dma_start3A_19 = tpu.memref_slice %arg3[%dma_start3A_17, %dma_start3A_18] : memref<100000x128xf32, #tpu.memory_space<hbm>> -> memref<100000x128xf32, #tpu.memory_space<hbm>>
      tpu.enqueue_indirect_dma source(%dma_start3A_19 : memref<100000x128xf32, #tpu.memory_space<hbm>>) target(%arg8 : memref<256x128xf32, #tpu.memory_space<vmem>>) offsets(%arg6 : memref<256xi32, #tpu.memory_space<vmem>>) semaphore(%arg10 : memref<!tpu.dma_semaphore, #tpu.memory_space<semaphore_mem>>)
      %dma_wait3A = arith.constant 0 : i32
      %dma_wait3A_20 = arith.constant 0 : i32
      %dma_wait3A_21 = tpu.memref_slice %arg2[%dma_wait3A, %dma_wait3A_20] : memref<100000x128xf32, #tpu.memory_space<hbm>> -> memref<100000x128xf32, #tpu.memory_space<hbm>>
      tpu.wait_indirect_dma semaphore(%arg9 : memref<!tpu.dma_semaphore, #tpu.memory_space<semaphore_mem>>) src(%dma_wait3A_21 : memref<100000x128xf32, #tpu.memory_space<hbm>>) dst(%arg7 : memref<256x128xf32, #tpu.memory_space<vmem>>)
      %dma_wait3A_22 = arith.constant 0 : i32
      %dma_wait3A_23 = arith.constant 0 : i32
      %dma_wait3A_24 = tpu.memref_slice %arg3[%dma_wait3A_22, %dma_wait3A_23] : memref<100000x128xf32, #tpu.memory_space<hbm>> -> memref<100000x128xf32, #tpu.memory_space<hbm>>
      tpu.wait_indirect_dma semaphore(%arg10 : memref<!tpu.dma_semaphore, #tpu.memory_space<semaphore_mem>>) src(%dma_wait3A_24 : memref<100000x128xf32, #tpu.memory_space<hbm>>) dst(%arg8 : memref<256x128xf32, #tpu.memory_space<vmem>>)
      %scan3A_25 = arith.constant 0 : i32
      %scan3A_26 = arith.constant 256 : i32
      %scan3A_27 = arith.addi %scan3A_25, %scan3A_26 : i32
      %scan3A_28 = arith.constant 1 : i32
      scf.for %scan3A_30 = %scan3A_25 to %scan3A_27 step %scan3A_28  : i32 {
        %mul3A_31 = arith.constant 1 : i32
        %mul3A_32 = arith.muli %scan3A_30, %mul3A_31 : i32
        %add3A_33 = arith.constant 0 : i32
        %add3A_34 = arith.addi %add3A_33, %mul3A_32 : i32
        %get3A = arith.index_cast %add3A_34 : i32 to index
        %get3A_35 = arith.constant 0 : index
        %get3A_36 = tpu.vector_load %arg7[%get3A, %get3A_35] {strides = array<i32>} : memref<256x128xf32, #tpu.memory_space<vmem>>, vector<1x16xf32>,
        %get3A_37 = vector.shape_cast %get3A_36 : vector<1x16xf32> to vector<16xf32>
        %get3A_38 = arith.index_cast %add3A_34 : i32 to index
        %get3A_39 = arith.constant 0 : index
        %get3A_40 = tpu.vector_load %arg8[%get3A_38, %get3A_39] {strides = array<i32>} : memref<256x128xf32, #tpu.memory_space<vmem>>, vector<1x16xf32>,
        %get3A_41 = vector.shape_cast %get3A_40 : vector<1x16xf32> to vector<16xf32>
        %add3A_42 = arith.addf %get3A_37, %get3A_41 : vector<16xf32>
        %swap3A = arith.index_cast %add3A_34 : i32 to index
        %swap3A_43 = arith.constant 0 : index
        %swap3A_44 = tpu.vector_load %arg7[%swap3A, %swap3A_43] {strides = array<i32>} : memref<256x128xf32, #tpu.memory_space<vmem>>, vector<1x16xf32>,
        %swap3A_45 = vector.shape_cast %swap3A_44 : vector<1x16xf32> to vector<16xf32>
        %swap3A_46 = vector.shape_cast %add3A_42 : vector<16xf32> to vector<1x16xf32>
        tpu.vector_store %arg7[%swap3A, %swap3A_43], %swap3A_46 {strides = array<i32>} : memref<256x128xf32, #tpu.memory_space<vmem>>, vector<1x16xf32>,
        %get3A_47 = arith.index_cast %add3A_34 : i32 to index
        %get3A_48 = arith.constant 16 : index
        %get3A_49 = tpu.vector_load %arg7[%get3A_47, %get3A_48] {strides = array<i32>} : memref<256x128xf32, #tpu.memory_space<vmem>>, vector<1x16xf32>,
        %get3A_50 = vector.shape_cast %get3A_49 : vector<1x16xf32> to vector<16xf32>
        %get3A_51 = arith.index_cast %add3A_34 : i32 to index
        %get3A_52 = arith.constant 16 : index
        %get3A_53 = tpu.vector_load %arg8[%get3A_51, %get3A_52] {strides = array<i32>} : memref<256x128xf32, #tpu.memory_space<vmem>>, vector<1x16xf32>,
        %get3A_54 = vector.shape_cast %get3A_53 : vector<1x16xf32> to vector<16xf32>
        %add3A_55 = arith.addf %get3A_50, %get3A_54 : vector<16xf32>
        %swap3A_56 = arith.index_cast %add3A_34 : i32 to index
        %swap3A_57 = arith.constant 16 : index
        %swap3A_58 = tpu.vector_load %arg7[%swap3A_56, %swap3A_57] {strides = array<i32>} : memref<256x128xf32, #tpu.memory_space<vmem>>, vector<1x16xf32>,
        %swap3A_59 = vector.shape_cast %swap3A_58 : vector<1x16xf32> to vector<16xf32>
        %swap3A_60 = vector.shape_cast %add3A_55 : vector<16xf32> to vector<1x16xf32>
        tpu.vector_store %arg7[%swap3A_56, %swap3A_57], %swap3A_60 {strides = array<i32>} : memref<256x128xf32, #tpu.memory_space<vmem>>, vector<1x16xf32>,
        %get3A_61 = arith.index_cast %add3A_34 : i32 to index
        %get3A_62 = arith.constant 32 : index
        %get3A_63 = tpu.vector_load %arg7[%get3A_61, %get3A_62] {strides = array<i32>} : memref<256x128xf32, #tpu.memory_space<vmem>>, vector<1x16xf32>,
        %get3A_64 = vector.shape_cast %get3A_63 : vector<1x16xf32> to vector<16xf32>
        %get3A_65 = arith.index_cast %add3A_34 : i32 to index
        %get3A_66 = arith.constant 32 : index
        %get3A_67 = tpu.vector_load %arg8[%get3A_65, %get3A_66] {strides = array<i32>} : memref<256x128xf32, #tpu.memory_space<vmem>>, vector<1x16xf32>,
        %get3A_68 = vector.shape_cast %get3A_67 : vector<1x16xf32> to vector<16xf32>
        %add3A_69 = arith.addf %get3A_64, %get3A_68 : vector<16xf32>
        %swap3A_70 = arith.index_cast %add3A_34 : i32 to index
        %swap3A_71 = arith.constant 32 : index
        %swap3A_72 = tpu.vector_load %arg7[%swap3A_70, %swap3A_71] {strides = array<i32>} : memref<256x128xf32, #tpu.memory_space<vmem>>, vector<1x16xf32>,
        %swap3A_73 = vector.shape_cast %swap3A_72 : vector<1x16xf32> to vector<16xf32>
        %swap3A_74 = vector.shape_cast %add3A_69 : vector<16xf32> to vector<1x16xf32>
        tpu.vector_store %arg7[%swap3A_70, %swap3A_71], %swap3A_74 {strides = array<i32>} : memref<256x128xf32, #tpu.memory_space<vmem>>, vector<1x16xf32>,
        %get3A_75 = arith.index_cast %add3A_34 : i32 to index
        %get3A_76 = arith.constant 48 : index
        %get3A_77 = tpu.vector_load %arg7[%get3A_75, %get3A_76] {strides = array<i32>} : memref<256x128xf32, #tpu.memory_space<vmem>>, vector<1x16xf32>,
        %get3A_78 = vector.shape_cast %get3A_77 : vector<1x16xf32> to vector<16xf32>
        %get3A_79 = arith.index_cast %add3A_34 : i32 to index
        %get3A_80 = arith.constant 48 : index
        %get3A_81 = tpu.vector_load %arg8[%get3A_79, %get3A_80] {strides = array<i32>} : memref<256x128xf32, #tpu.memory_space<vmem>>, vector<1x16xf32>,
        %get3A_82 = vector.shape_cast %get3A_81 : vector<1x16xf32> to vector<16xf32>
        %add3A_83 = arith.addf %get3A_78, %get3A_82 : vector<16xf32>
        %swap3A_84 = arith.index_cast %add3A_34 : i32 to index
        %swap3A_85 = arith.constant 48 : index
        %swap3A_86 = tpu.vector_load %arg7[%swap3A_84, %swap3A_85] {strides = array<i32>} : memref<256x128xf32, #tpu.memory_space<vmem>>, vector<1x16xf32>,
        %swap3A_87 = vector.shape_cast %swap3A_86 : vector<1x16xf32> to vector<16xf32>
        %swap3A_88 = vector.shape_cast %add3A_83 : vector<16xf32> to vector<1x16xf32>
        tpu.vector_store %arg7[%swap3A_84, %swap3A_85], %swap3A_88 {strides = array<i32>} : memref<256x128xf32, #tpu.memory_space<vmem>>, vector<1x16xf32>,
        %get3A_89 = arith.index_cast %add3A_34 : i32 to index
        %get3A_90 = arith.constant 64 : index
        %get3A_91 = tpu.vector_load %arg7[%get3A_89, %get3A_90] {strides = array<i32>} : memref<256x128xf32, #tpu.memory_space<vmem>>, vector<1x16xf32>,
        %get3A_92 = vector.shape_cast %get3A_91 : vector<1x16xf32> to vector<16xf32>
        %get3A_93 = arith.index_cast %add3A_34 : i32 to index
        %get3A_94 = arith.constant 64 : index
        %get3A_95 = tpu.vector_load %arg8[%get3A_93, %get3A_94] {strides = array<i32>} : memref<256x128xf32, #tpu.memory_space<vmem>>, vector<1x16xf32>,
        %get3A_96 = vector.shape_cast %get3A_95 : vector<1x16xf32> to vector<16xf32>
        %add3A_97 = arith.addf %get3A_92, %get3A_96 : vector<16xf32>
        %swap3A_98 = arith.index_cast %add3A_34 : i32 to index
        %swap3A_99 = arith.constant 64 : index
        %swap3A_100 = tpu.vector_load %arg7[%swap3A_98, %swap3A_99] {strides = array<i32>} : memref<256x128xf32, #tpu.memory_space<vmem>>, vector<1x16xf32>,
        %swap3A_101 = vector.shape_cast %swap3A_100 : vector<1x16xf32> to vector<16xf32>
        %swap3A_102 = vector.shape_cast %add3A_97 : vector<16xf32> to vector<1x16xf32>
        tpu.vector_store %arg7[%swap3A_98, %swap3A_99], %swap3A_102 {strides = array<i32>} : memref<256x128xf32, #tpu.memory_space<vmem>>, vector<1x16xf32>,
        %get3A_103 = arith.index_cast %add3A_34 : i32 to index
        %get3A_104 = arith.constant 80 : index
        %get3A_105 = tpu.vector_load %arg7[%get3A_103, %get3A_104] {strides = array<i32>} : memref<256x128xf32, #tpu.memory_space<vmem>>, vector<1x16xf32>,
        %get3A_106 = vector.shape_cast %get3A_105 : vector<1x16xf32> to vector<16xf32>
        %get3A_107 = arith.index_cast %add3A_34 : i32 to index
        %get3A_108 = arith.constant 80 : index
        %get3A_109 = tpu.vector_load %arg8[%get3A_107, %get3A_108] {strides = array<i32>} : memref<256x128xf32, #tpu.memory_space<vmem>>, vector<1x16xf32>,
        %get3A_110 = vector.shape_cast %get3A_109 : vector<1x16xf32> to vector<16xf32>
        %add3A_111 = arith.addf %get3A_106, %get3A_110 : vector<16xf32>
        %swap3A_112 = arith.index_cast %add3A_34 : i32 to index
        %swap3A_113 = arith.constant 80 : index
        %swap3A_114 = tpu.vector_load %arg7[%swap3A_112, %swap3A_113] {strides = array<i32>} : memref<256x128xf32, #tpu.memory_space<vmem>>, vector<1x16xf32>,
        %swap3A_115 = vector.shape_cast %swap3A_114 : vector<1x16xf32> to vector<16xf32>
        %swap3A_116 = vector.shape_cast %add3A_111 : vector<16xf32> to vector<1x16xf32>
        tpu.vector_store %arg7[%swap3A_112, %swap3A_113], %swap3A_116 {strides = array<i32>} : memref<256x128xf32, #tpu.memory_space<vmem>>, vector<1x16xf32>,
        %get3A_117 = arith.index_cast %add3A_34 : i32 to index
        %get3A_118 = arith.constant 96 : index
        %get3A_119 = tpu.vector_load %arg7[%get3A_117, %get3A_118] {strides = array<i32>} : memref<256x128xf32, #tpu.memory_space<vmem>>, vector<1x16xf32>,
        %get3A_120 = vector.shape_cast %get3A_119 : vector<1x16xf32> to vector<16xf32>
        %get3A_121 = arith.index_cast %add3A_34 : i32 to index
        %get3A_122 = arith.constant 96 : index
        %get3A_123 = tpu.vector_load %arg8[%get3A_121, %get3A_122] {strides = array<i32>} : memref<256x128xf32, #tpu.memory_space<vmem>>, vector<1x16xf32>,
        %get3A_124 = vector.shape_cast %get3A_123 : vector<1x16xf32> to vector<16xf32>
        %add3A_125 = arith.addf %get3A_120, %get3A_124 : vector<16xf32>
        %swap3A_126 = arith.index_cast %add3A_34 : i32 to index
        %swap3A_127 = arith.constant 96 : index
        %swap3A_128 = tpu.vector_load %arg7[%swap3A_126, %swap3A_127] {strides = array<i32>} : memref<256x128xf32, #tpu.memory_space<vmem>>, vector<1x16xf32>,
        %swap3A_129 = vector.shape_cast %swap3A_128 : vector<1x16xf32> to vector<16xf32>
        %swap3A_130 = vector.shape_cast %add3A_125 : vector<16xf32> to vector<1x16xf32>
        tpu.vector_store %arg7[%swap3A_126, %swap3A_127], %swap3A_130 {strides = array<i32>} : memref<256x128xf32, #tpu.memory_space<vmem>>, vector<1x16xf32>,
        %get3A_131 = arith.index_cast %add3A_34 : i32 to index
        %get3A_132 = arith.constant 112 : index
        %get3A_133 = tpu.vector_load %arg7[%get3A_131, %get3A_132] {strides = array<i32>} : memref<256x128xf32, #tpu.memory_space<vmem>>, vector<1x16xf32>,
        %get3A_134 = vector.shape_cast %get3A_133 : vector<1x16xf32> to vector<16xf32>
        %get3A_135 = arith.index_cast %add3A_34 : i32 to index
        %get3A_136 = arith.constant 112 : index
        %get3A_137 = tpu.vector_load %arg8[%get3A_135, %get3A_136] {strides = array<i32>} : memref<256x128xf32, #tpu.memory_space<vmem>>, vector<1x16xf32>,
        %get3A_138 = vector.shape_cast %get3A_137 : vector<1x16xf32> to vector<16xf32>
        %add3A_139 = arith.addf %get3A_134, %get3A_138 : vector<16xf32>
        %swap3A_140 = arith.index_cast %add3A_34 : i32 to index
        %swap3A_141 = arith.constant 112 : index
        %swap3A_142 = tpu.vector_load %arg7[%swap3A_140, %swap3A_141] {strides = array<i32>} : memref<256x128xf32, #tpu.memory_space<vmem>>, vector<1x16xf32>,
        %swap3A_143 = vector.shape_cast %swap3A_142 : vector<1x16xf32> to vector<16xf32>
        %swap3A_144 = vector.shape_cast %add3A_139 : vector<16xf32> to vector<1x16xf32>
        tpu.vector_store %arg7[%swap3A_140, %swap3A_141], %swap3A_144 {strides = array<i32>} : memref<256x128xf32, #tpu.memory_space<vmem>>, vector<1x16xf32>,
      }
      %scan3A_29 = arith.constant 256 : i32
      "tpu.region"() ({
        %run_scoped3A = tpu.sem_alloc : memref<!tpu.dma_semaphore, #tpu.memory_space<semaphore_mem>>
        %dma_start3A_30 = arith.constant 0 : i32
        %dma_start3A_31 = tpu.memref_slice %arg5[%add3A_14, %dma_start3A_30] : memref<131072x128xf32, #tpu.memory_space<hbm>> -> memref<256x128xf32, #tpu.memory_space<hbm>>
        %dma_start3A_32 = arith.constant 0 : i32
        %dma_start3A_33 = tpu.memref_slice %arg5[%add3A_14, %dma_start3A_32] : memref<131072x128xf32, #tpu.memory_space<hbm>> -> memref<256x128xf32, #tpu.memory_space<hbm>>
        tpu.enqueue_dma source(%arg7 : memref<256x128xf32, #tpu.memory_space<vmem>>) target(%dma_start3A_33 : memref<256x128xf32, #tpu.memory_space<hbm>>) target_semaphore(%run_scoped3A : memref<!tpu.dma_semaphore, #tpu.memory_space<semaphore_mem>>)
        %dma_wait3A_34 = arith.constant 0 : i32
        %dma_wait3A_35 = tpu.memref_slice %arg5[%add3A_14, %dma_wait3A_34] : memref<131072x128xf32, #tpu.memory_space<hbm>> -> memref<256x128xf32, #tpu.memory_space<hbm>>
        %dma_wait3A_36 = arith.constant 0 : i32
        %dma_wait3A_37 = tpu.memref_slice %arg5[%add3A_14, %dma_wait3A_36] : memref<131072x128xf32, #tpu.memory_space<hbm>> -> memref<256x128xf32, #tpu.memory_space<hbm>>
        tpu.wait_dma2 semaphore(%run_scoped3A : memref<!tpu.dma_semaphore, #tpu.memory_space<semaphore_mem>>) src(%arg7 : memref<256x128xf32, #tpu.memory_space<vmem>>) dst(%dma_wait3A_37 : memref<256x128xf32, #tpu.memory_space<hbm>>)
        tpu.yield
      }) : () -> ()
    }
    %scan3A_4 = arith.constant 16 : i32
    return
  }
}

module attributes {stable_mosaic.version = 14 : i64} {
  func.func @_attn_body(%arg0: i32, %arg1: memref<8192x128xf32, #tpu.memory_space<vmem>>, %arg2: memref<128x128xf32, #tpu.memory_space<vmem>>, %arg3: memref<128xf32, #tpu.memory_space<vmem>>, %arg4: memref<256x1xf32, #tpu.memory_space<vmem>>, %arg5: memref<1xf32, #tpu.memory_space<vmem>>, %arg6: memref<256x32xf32, #tpu.memory_space<vmem>>, %arg7: memref<256x32xf32, #tpu.memory_space<vmem>>) attributes {dimension_semantics = [#tpu.dimension_semantics<arbitrary>], iteration_bounds = array<i64: 16>, scalar_prefetch = 0 : i64, scratch_operands = 0 : i64, tpu.core_type = #tpu.core_type<tc>, window_params = [{transform_indices = @transform_0, window_bounds = array<i64: 8192, 128>}, {pipeline_mode = #tpu.pipeline_mode<synchronous>, transform_indices = @transform_1, window_bounds = array<i64: 128, 128>}, {pipeline_mode = #tpu.pipeline_mode<synchronous>, transform_indices = @transform_2, window_bounds = array<i64: 128>}, {pipeline_mode = #tpu.pipeline_mode<synchronous>, transform_indices = @transform_3, window_bounds = array<i64: 256, 1>}, {pipeline_mode = #tpu.pipeline_mode<synchronous>, transform_indices = @transform_4, window_bounds = array<i64: 1>}, {transform_indices = @transform_5, window_bounds = array<i64: 256, 32>}, {transform_indices = @transform_6, window_bounds = array<i64: 256, 32>}]} {
    %get3A = arith.constant 0 : index
    %get3A_0 = arith.constant 0 : index
    %get3A_1 = vector.load %arg1[%get3A, %get3A_0] : memref<8192x128xf32, #tpu.memory_space<vmem>>, vector<8192x128xf32>
    %reshape3A = vector.shape_cast %get3A_1 : vector<8192x128xf32> to vector<256x32x128xf32>
    %reduce_max3A = arith.constant dense<0xFF800000> : vector<256x128xf32>
    %reduce_max3A_2 = vector.multi_reduction <maximumf>, %reshape3A, %reduce_max3A [1] : vector<256x32x128xf32> to vector<256x128xf32>
    %get3A_3 = arith.constant 0 : index
    %get3A_4 = arith.constant 0 : index
    %get3A_5 = vector.load %arg2[%get3A_3, %get3A_4] : memref<128x128xf32, #tpu.memory_space<vmem>>, vector<128x128xf32>
    %dot_general3A = arith.constant dense<0.000000e+00> : vector<256x128xf32>
    %dot_general3A_6 = tpu.matmul %reduce_max3A_2, %get3A_5, %dot_general3A {dimension_numbers = #tpu.dot_dimension_numbers<[1], [0], [0], [1], [0, 0, 1, 1], [], []>, transpose_lhs_hint = false} : vector<256x128xf32>, vector<128x128xf32>, vector<256x128xf32> -> vector<256x128xf32>
    %get3A_7 = arith.constant 0 : index
    %get3A_8 = vector.load %arg3[%get3A_7] : memref<128xf32, #tpu.memory_space<vmem>>, vector<128xf32>
    %broadcast_in_dim3A = vector.shape_cast %get3A_8 : vector<128xf32> to vector<1x128xf32>
    %add3A = vector.broadcast %broadcast_in_dim3A : vector<1x128xf32> to vector<256x128xf32>
    %add3A_9 = arith.addf %dot_general3A_6, %add3A : vector<256x128xf32>
    %broadcast_in_dim3A_10 = vector.shape_cast %add3A_9 : vector<256x128xf32> to vector<256x1x128xf32>
    %broadcast_in_dim3A_11 = vector.shape_cast %broadcast_in_dim3A_10 : vector<256x1x128xf32> to vector<256x1x128xf32>
    %broadcast_in_dim3A_12 = vector.broadcast %broadcast_in_dim3A_11 : vector<256x1x128xf32> to vector<256x32x128xf32>
    %reshape3A_13 = vector.shape_cast %broadcast_in_dim3A_12 : vector<256x32x128xf32> to vector<8192x128xf32>
    %concatenate3A = tpu.concatenate %reshape3A_13, %get3A_1 in 1 : vector<8192x128xf32>, vector<8192x128xf32> -> vector<8192x256xf32>
    %get3A_14 = arith.constant 0 : index
    %get3A_15 = arith.constant 0 : index
    %get3A_16 = vector.load %arg4[%get3A_14, %get3A_15] : memref<256x1xf32, #tpu.memory_space<vmem>>, vector<256x1xf32>
    %dot_general3A_17 = arith.constant dense<0.000000e+00> : vector<8192x1xf32>
    %dot_general3A_18 = tpu.matmul %concatenate3A, %get3A_16, %dot_general3A_17 {dimension_numbers = #tpu.dot_dimension_numbers<[1], [0], [0], [1], [0, 0, 1, 1], [], []>, transpose_lhs_hint = false} : vector<8192x256xf32>, vector<256x1xf32>, vector<8192x1xf32> -> vector<8192x1xf32>
    %get3A_19 = arith.constant 0 : index
    %get3A_20 = vector.load %arg5[%get3A_19] : memref<1xf32, #tpu.memory_space<vmem>>, vector<1xf32>
    %broadcast_in_dim3A_21 = vector.shape_cast %get3A_20 : vector<1xf32> to vector<1x1xf32>
    %add3A_22 = vector.broadcast %broadcast_in_dim3A_21 : vector<1x1xf32> to vector<8192x1xf32>
    %add3A_23 = arith.addf %dot_general3A_18, %add3A_22 : vector<8192x1xf32>
    %ge3A = arith.constant 0.000000e+00 : f32
    %ge3A_24 = vector.broadcast %ge3A : f32 to vector<8192x1xf32>
    %ge3A_25 = arith.cmpf oge, %add3A_23, %ge3A_24 : vector<8192x1xf32>
    %mul3A = arith.constant 2.000000e-01 : f32
    %mul3A_26 = vector.broadcast %mul3A : f32 to vector<8192x1xf32>
    %mul3A_27 = arith.mulf %mul3A_26, %add3A_23 : vector<8192x1xf32>
    %select_n3A = arith.select %ge3A_25, %add3A_23, %mul3A_27 : vector<8192x1xi1>, vector<8192x1xf32>
    %reshape3A_28 = vector.shape_cast %select_n3A : vector<8192x1xf32> to vector<256x32xf32>
    %reduce_max3A_29 = arith.constant dense<0xFF800000> : vector<256xf32>
    %reduce_max3A_30 = vector.multi_reduction <maximumf>, %reshape3A_28, %reduce_max3A_29 [1] : vector<256x32xf32> to vector<256xf32>
    %broadcast_in_dim3A_31 = vector.shape_cast %reduce_max3A_30 : vector<256xf32> to vector<256x1xf32>
    %sub3A = vector.broadcast %broadcast_in_dim3A_31 : vector<256x1xf32> to vector<256x32xf32>
    %sub3A_32 = arith.subf %reshape3A_28, %sub3A : vector<256x32xf32>
    %exp3A = math.exp %sub3A_32 : vector<256x32xf32>
    %swap3A = arith.constant 0 : index
    %swap3A_33 = arith.constant 0 : index
    %swap3A_34 = vector.load %arg6[%swap3A, %swap3A_33] : memref<256x32xf32, #tpu.memory_space<vmem>>, vector<256x32xf32>
    tpu.vector_store %arg6[%swap3A, %swap3A_33], %exp3A {strides = array<i32>} : memref<256x32xf32, #tpu.memory_space<vmem>>, vector<256x32xf32>,
    %swap3A_35 = arith.constant 0 : index
    %swap3A_36 = arith.constant 0 : index
    %swap3A_37 = vector.load %arg7[%swap3A_35, %swap3A_36] : memref<256x32xf32, #tpu.memory_space<vmem>>, vector<256x32xf32>
    tpu.vector_store %arg7[%swap3A_35, %swap3A_36], %reshape3A_28 {strides = array<i32>} : memref<256x32xf32, #tpu.memory_space<vmem>>, vector<256x32xf32>,
    return
  }
  func.func @transform_0(%arg0: i32) -> (i32, i32) {
    %c0_i32 = arith.constant 0 : i32
    %c0_i32_0 = arith.constant 0 : i32
    return %arg0, %c0_i32 : i32, i32
  }
  func.func @transform_1(%arg0: i32) -> (i32, i32) {
    %c0_i32 = arith.constant 0 : i32
    %c0_i32_0 = arith.constant 0 : i32
    %c0_i32_1 = arith.constant 0 : i32
    return %c0_i32, %c0_i32_0 : i32, i32
  }
  func.func @transform_2(%arg0: i32) -> i32 {
    %c0_i32 = arith.constant 0 : i32
    %c0_i32_0 = arith.constant 0 : i32
    return %c0_i32 : i32
  }
  func.func @transform_3(%arg0: i32) -> (i32, i32) {
    %c0_i32 = arith.constant 0 : i32
    %c0_i32_0 = arith.constant 0 : i32
    %c0_i32_1 = arith.constant 0 : i32
    return %c0_i32, %c0_i32_0 : i32, i32
  }
  func.func @transform_4(%arg0: i32) -> i32 {
    %c0_i32 = arith.constant 0 : i32
    %c0_i32_0 = arith.constant 0 : i32
    return %c0_i32 : i32
  }
  func.func @transform_5(%arg0: i32) -> (i32, i32) {
    %c0_i32 = arith.constant 0 : i32
    %c0_i32_0 = arith.constant 0 : i32
    return %arg0, %c0_i32 : i32, i32
  }
  func.func @transform_6(%arg0: i32) -> (i32, i32) {
    %c0_i32 = arith.constant 0 : i32
    %c0_i32_0 = arith.constant 0 : i32
    return %arg0, %c0_i32 : i32, i32
  }
}

module attributes {stable_mosaic.version = 14 : i64} {
  func.func @body(%arg0: i32, %arg1: memref<4096xi32, #tpu.memory_space<smem>>, %arg2: memref<1x1x32xf32, #tpu.memory_space<vmem>>, %arg3: memref<1x1x128xf32, #tpu.memory_space<vmem>>, %arg4: memref<1x1x32xi32, #tpu.memory_space<vmem>>, %arg5: memref<100000x1x32xf32, #tpu.memory_space<any>>, %arg6: memref<100000x1x128xf32, #tpu.memory_space<any>>, %arg7: memref<100000x1x32xi32, #tpu.memory_space<any>>, %arg8: memref<100000x1x1xi32, #tpu.memory_space<any>>, %arg9: memref<1x1x32xf32, #tpu.memory_space<vmem>>, %arg10: memref<1x1x128xf32, #tpu.memory_space<vmem>>, %arg11: memref<1x1x32xi32, #tpu.memory_space<vmem>>, %arg12: memref<1x1x1xi32, #tpu.memory_space<vmem>>) attributes {dimension_semantics = [#tpu.dimension_semantics<arbitrary>], iteration_bounds = array<i64: 4096>, scalar_prefetch = 1 : i64, scratch_operands = 0 : i64, tpu.core_type = #tpu.core_type<tc>, window_params = [{transform_indices = @transform_0, window_bounds = array<i64: 1, 1, 32>}, {transform_indices = @transform_1, window_bounds = array<i64: 1, 1, 128>}, {transform_indices = @transform_2, window_bounds = array<i64: 1, 1, 32>}, {}, {}, {}, {}, {transform_indices = @transform_7, window_bounds = array<i64: 1, 1, 32>}, {transform_indices = @transform_8, window_bounds = array<i64: 1, 1, 128>}, {transform_indices = @transform_9, window_bounds = array<i64: 1, 1, 32>}, {transform_indices = @transform_10, window_bounds = array<i64: 1, 1, 1>}]} {
    %get3A = arith.constant 0 : index
    %get3A_0 = arith.constant 0 : index
    %get3A_1 = arith.constant 0 : index
    %get3A_2 = vector.load %arg2[%get3A, %get3A_0, %get3A_1] : memref<1x1x32xf32, #tpu.memory_space<vmem>>, vector<1x1x32xf32>
    %swap3A = arith.constant 0 : index
    %swap3A_3 = arith.constant 0 : index
    %swap3A_4 = arith.constant 0 : index
    %swap3A_5 = vector.load %arg9[%swap3A, %swap3A_3, %swap3A_4] : memref<1x1x32xf32, #tpu.memory_space<vmem>>, vector<1x1x32xf32>
    tpu.vector_store %arg9[%swap3A, %swap3A_3, %swap3A_4], %get3A_2 {strides = array<i32>} : memref<1x1x32xf32, #tpu.memory_space<vmem>>, vector<1x1x32xf32>,
    %get3A_6 = arith.constant 0 : index
    %get3A_7 = arith.constant 0 : index
    %get3A_8 = arith.constant 0 : index
    %get3A_9 = vector.load %arg3[%get3A_6, %get3A_7, %get3A_8] : memref<1x1x128xf32, #tpu.memory_space<vmem>>, vector<1x1x128xf32>
    %swap3A_10 = arith.constant 0 : index
    %swap3A_11 = arith.constant 0 : index
    %swap3A_12 = arith.constant 0 : index
    %swap3A_13 = vector.load %arg10[%swap3A_10, %swap3A_11, %swap3A_12] : memref<1x1x128xf32, #tpu.memory_space<vmem>>, vector<1x1x128xf32>
    tpu.vector_store %arg10[%swap3A_10, %swap3A_11, %swap3A_12], %get3A_9 {strides = array<i32>} : memref<1x1x128xf32, #tpu.memory_space<vmem>>, vector<1x1x128xf32>,
    %get3A_14 = arith.constant 0 : index
    %get3A_15 = arith.constant 0 : index
    %get3A_16 = arith.constant 0 : index
    %get3A_17 = vector.load %arg4[%get3A_14, %get3A_15, %get3A_16] : memref<1x1x32xi32, #tpu.memory_space<vmem>>, vector<1x1x32xi32>
    %swap3A_18 = arith.constant 0 : index
    %swap3A_19 = arith.constant 0 : index
    %swap3A_20 = arith.constant 0 : index
    %swap3A_21 = vector.load %arg11[%swap3A_18, %swap3A_19, %swap3A_20] : memref<1x1x32xi32, #tpu.memory_space<vmem>>, vector<1x1x32xi32>
    tpu.vector_store %arg11[%swap3A_18, %swap3A_19, %swap3A_20], %get3A_17 {strides = array<i32>} : memref<1x1x32xi32, #tpu.memory_space<vmem>>, vector<1x1x32xi32>,
    %broadcast_in_dim3A = arith.constant 31 : i32
    %broadcast_in_dim3A_22 = vector.broadcast %broadcast_in_dim3A : i32 to vector<1x1x1xi32>
    %swap3A_23 = arith.constant 0 : index
    %swap3A_24 = arith.constant 0 : index
    %swap3A_25 = arith.constant 0 : index
    %swap3A_26 = vector.load %arg12[%swap3A_23, %swap3A_24, %swap3A_25] : memref<1x1x1xi32, #tpu.memory_space<vmem>>, vector<1x1x1xi32>
    tpu.vector_store %arg12[%swap3A_23, %swap3A_24, %swap3A_25], %broadcast_in_dim3A_22 {strides = array<i32>} : memref<1x1x1xi32, #tpu.memory_space<vmem>>, vector<1x1x1xi32>,
    return
  }
  func.func @transform_0(%arg0: i32, %arg1: memref<4096xi32, #tpu.memory_space<smem>>) -> (i32, i32, i32) {
    %c0_i32 = arith.constant 0 : i32
    %c0_i32_0 = arith.constant 0 : i32
    %c0_i32_1 = arith.constant 0 : i32
    return %arg0, %c0_i32, %c0_i32_0 : i32, i32, i32
  }
  func.func @transform_1(%arg0: i32, %arg1: memref<4096xi32, #tpu.memory_space<smem>>) -> (i32, i32, i32) {
    %c0_i32 = arith.constant 0 : i32
    %c0_i32_0 = arith.constant 0 : i32
    %c0_i32_1 = arith.constant 0 : i32
    return %arg0, %c0_i32, %c0_i32_0 : i32, i32, i32
  }
  func.func @transform_2(%arg0: i32, %arg1: memref<4096xi32, #tpu.memory_space<smem>>) -> (i32, i32, i32) {
    %c0_i32 = arith.constant 0 : i32
    %c0_i32_0 = arith.constant 0 : i32
    %c0_i32_1 = arith.constant 0 : i32
    return %arg0, %c0_i32, %c0_i32_0 : i32, i32, i32
  }
  func.func @transform_7(%arg0: i32, %arg1: memref<4096xi32, #tpu.memory_space<smem>>) -> (i32, i32, i32) {
    %get3A = arith.index_cast %arg0 : i32 to index
    %get3A_0 = memref.load %arg1[%get3A] : memref<4096xi32, #tpu.memory_space<smem>>
    %c0_i32 = arith.constant 0 : i32
    %c0_i32_1 = arith.constant 0 : i32
    %c0_i32_2 = arith.constant 0 : i32
    return %get3A_0, %c0_i32, %c0_i32_1 : i32, i32, i32
  }
  func.func @transform_8(%arg0: i32, %arg1: memref<4096xi32, #tpu.memory_space<smem>>) -> (i32, i32, i32) {
    %get3A = arith.index_cast %arg0 : i32 to index
    %get3A_0 = memref.load %arg1[%get3A] : memref<4096xi32, #tpu.memory_space<smem>>
    %c0_i32 = arith.constant 0 : i32
    %c0_i32_1 = arith.constant 0 : i32
    %c0_i32_2 = arith.constant 0 : i32
    return %get3A_0, %c0_i32, %c0_i32_1 : i32, i32, i32
  }
  func.func @transform_9(%arg0: i32, %arg1: memref<4096xi32, #tpu.memory_space<smem>>) -> (i32, i32, i32) {
    %get3A = arith.index_cast %arg0 : i32 to index
    %get3A_0 = memref.load %arg1[%get3A] : memref<4096xi32, #tpu.memory_space<smem>>
    %c0_i32 = arith.constant 0 : i32
    %c0_i32_1 = arith.constant 0 : i32
    %c0_i32_2 = arith.constant 0 : i32
    return %get3A_0, %c0_i32, %c0_i32_1 : i32, i32, i32
  }
  func.func @transform_10(%arg0: i32, %arg1: memref<4096xi32, #tpu.memory_space<smem>>) -> (i32, i32, i32) {
    %get3A = arith.index_cast %arg0 : i32 to index
    %get3A_0 = memref.load %arg1[%get3A] : memref<4096xi32, #tpu.memory_space<smem>>
    %c0_i32 = arith.constant 0 : i32
    %c0_i32_1 = arith.constant 0 : i32
    %c0_i32_2 = arith.constant 0 : i32
    return %get3A_0, %c0_i32, %c0_i32_1 : i32, i32, i32
  }
}

</mosaic_0001>

<sc_bundles>
// kernel: kernel.5.cloned.1.call-start
scs
__scs_entry_jumppad:
0x0: {  	(pc) =	sbr.rel $0x88, $3  }
0x1: {  	(tag) =	ssettag $0x0;
	lr =	simm.s32 $0x1  }
0x2: {  	[smem:$0x3F91] =	sst lr;
	_ =	strace $0xD0000000  }
0x3: {  	_ = 	snop  }
0x4: {  	_ = 	snop  }
0x5: {  	_ = 	snop  }
0x6: {  	_ = 	snop  }
0x7: {  	_ = 	snop  }
__scs_overlays_trampoline_lowered:
0x8: {  	[smem:$0x3FA0] =	sst s0  }
0x9: {  	[smem:$0x3FA1] =	sst s1  }
0xa: {  	[smem:$0x3FA2] =	sst s2  }
0xb: {  	[smem:$0x3FA3] =	sst s3  }
0xc: {  	[smem:$0x3FA4] =	sst s4  }
0xd: {  	[smem:$0x3FA5] =	sst s5  }
0xe: {  	[smem:$0x3FA6] =	sst s6  }
0xf: {  	[smem:$0x3FA7] =	sst s7  }
0x10: {  	[smem:$0x3FA8] =	sst s8  }
0x11: {  	[smem:$0x3FA9] =	sst s9;
	s0 =	simm.s32 @!p0 $0x0  }
0x12: {  	s1 =	sld [smem:$0x3F8F];
	s0 =	simm.s32 @p0 $0x1  }
0x13: {  	[smem:$0x3FAA] =	sst s0;
	s0 =	simm.s32 @!p1 $0x0  }
0x14: {  	s2 =	sld [smem:$0x3F8E];
	s0 =	simm.s32 @p1 $0x1  }
0x15: {  	[smem:$0x3FAB] =	sst s0;
	s0 =	simm.s32 @!p2 $0x0  }
0x16: {  	s3 =	sld [smem:$0x3FDB];
	s0 =	simm.s32 @p2 $0x1  }
0x17: {  	s4 =	simm.s32 $0x1BF5;
	[smem:$0x3FAD] =	sst s0  }
0x18: {  	s0 =	sld [smem:$0x3F90];
	_ =	swait.ge [sflag:s4], $0x0  }
0x19: {  	s7 =	sld [smem:$0x3F91]  }
0x1a: {  	s8 =	sadd.s32 $0xFFFFE003, lr  }
0x1b: {  	s9 =	sadd.s32 $0xFFFFFEF7, lr;
	s5 =	simm.s32 $0xFFFFFFFF;
	p2 =	slt.u32 s8, $0xFFFFF086  }
0x1c: {  	p1 =	slt.u32 s9, $0xF7A;
	s5 =	simm.s32 @!p2 $0x0  }
0x1d: {  	s5 =	simm.s32 @p1 $0x1;
	p0 =	seq.s32 s7, s2  }
0x1e: {  	s7 =	smul.u32 @!p0 $0xF7A, s2;
	p2 =	seq.s32 @!p0 s5, $0x0  }
0x1f: {  	s9 =	smul.u32 $0xF7A, s1;
	s8 =	simm.s32 @!p0 $0x1BF5;
	p2 =	por !p2, p0  }
0x20: {  	[sflag:s8] =	ssyncset.s32 @!p0 $0xFFFFF086;
	s6 =	sadd.s32 @!p0 s3, s7;
	s7 =	simm.s32 @!p0 $0x108  }
0x21: {  	s3 =	sadd.s32 s3, s9;
	s6 =	sadd.s32 @!p0 $0x88, s6;
	s7 =	simm.s32 @p2 $0x1082  }
0x22: {  	[simem:s7], [sflag:s8] =	dma.local @!p0 [hbm:s6], $0xF7A  }
0x23: {  	s9 =	sor.u32 $0xD0000000, s2;
	s6 =	simm.s32 $0x108;
	_ =	swait.ge @!p0 [sflag:s8], $0x0  }
0x24: {  	s3 =	sadd.s32 $0x88, s3;
	s6 =	simm.s32 @!p1 $0x1082;
	[sflag:s4] =	ssyncset.s32 $0xFFFFF086  }
0x25: {  	[simem:s6], [sflag:s4] =	dma.local [hbm:s3], $0xF7A  }
0x26: {  	[smem:$0x3F91] =	sst s1;
	(tag) =	ssettag s2;
	_ =	strace s9  }
0x27: {  	s1 =	sld [smem:$0x3FA1]  }
0x28: {  	s2 =	sld [smem:$0x3FA2]  }
0x29: {  	s4 =	sld [smem:$0x3FA4]  }
0x2a: {  	p0 =	seq.s32 s5, $0x0;
	s5 =	sld [smem:$0x3FA5]  }
0x2b: {  	s6 =	sld [smem:$0x3FA6]  }
0x2c: {  	s7 =	sld [smem:$0x3FA7]  }
0x2d: {  	s3 =	simm.s32 $0x108;
	s8 =	sld [smem:$0x3FA8]  }
0x2e: {  	s3 =	simm.s32 @!p0 $0x1082;
	s9 =	sld [smem:$0x3FA9]  }
0x2f: {  	lr =	sadd.s32 s0, s3;
	s0 =	sld [smem:$0x3FA0]  }
0x30: {  	s3 =	sld [smem:$0x3FA3]  }
0x31: {  	[smem:$0x3FAC] =	sst s10  }
0x32: {  	s10 =	sld [smem:$0x3FAA];
	_ =	sdelay $0x3  }
0x33: {  	p0 =	seq.s32 s10, $0x1;
	s10 =	sld [smem:$0x3FAC];
	_ =	sdelay $0x3  }
0x34: {  	[smem:$0x3FAC] =	sst s10  }
0x35: {  	s10 =	sld [smem:$0x3FAB];
	_ =	sdelay $0x3  }
0x36: {  	p1 =	seq.s32 s10, $0x1;
	s10 =	sld [smem:$0x3FAC];
	_ =	sdelay $0x3  }
0x37: {  	[smem:$0x3FAC] =	sst s10  }
0x38: {  	s10 =	sld [smem:$0x3FAD]  }
0x39: {  	_ = 	snop;
	(pc) =	sbr.ind lr, $3  }
0x3a: {  	_ = 	snop  }
0x3b: {  	_ = 	snop  }
0x3c: {  	p2 =	seq.s32 s10, $0x1;
	s10 =	sld [smem:$0x3FAC]  }
0x3d: {  	_ =	shalt  }
0x3e: {  	_ =	shalt  }
0x3f: {  	_ =	shalt  }
0x40: {  	_ =	shalt  }
0x41: {  	_ =	shalt  }
0x42: {  	_ =	shalt  }
0x43: {  	_ =	shalt  }
0x44: {  	_ =	shalt  }
0x45: {  	_ =	shalt  }
0x46: {  	_ =	shalt  }
0x47: {  	_ =	shalt  }
0x48: {  	_ =	shalt  }
0x49: {  	_ =	shalt  }
0x4a: {  	_ =	shalt  }
0x4b: {  	_ =	shalt  }
0x4c: {  	_ =	shalt  }
0x4d: {  	_ =	shalt  }
0x4e: {  	_ =	shalt  }
0x4f: {  	_ =	shalt  }
0x50: {  	_ =	shalt  }
0x51: {  	_ =	shalt  }
0x52: {  	_ =	shalt  }
0x53: {  	_ =	shalt  }
0x54: {  	_ =	shalt  }
0x55: {  	_ =	shalt  }
0x56: {  	_ =	shalt  }
0x57: {  	_ =	shalt  }
0x58: {  	_ =	shalt  }
0x59: {  	_ =	shalt  }
0x5a: {  	_ =	shalt  }
0x5b: {  	_ =	shalt  }
0x5c: {  	_ =	shalt  }
0x5d: {  	_ =	shalt  }
0x5e: {  	_ =	shalt  }
0x5f: {  	_ =	shalt  }
0x60: {  	_ =	shalt  }
0x61: {  	_ =	shalt  }
0x62: {  	_ =	shalt  }
0x63: {  	_ =	shalt  }
0x64: {  	_ =	shalt  }
0x65: {  	_ =	shalt  }
0x66: {  	_ =	shalt  }
0x67: {  	_ =	shalt  }
0x68: {  	_ =	shalt  }
0x69: {  	_ =	shalt  }
0x6a: {  	_ =	shalt  }
0x6b: {  	_ =	shalt  }
0x6c: {  	_ =	shalt  }
0x6d: {  	_ =	shalt  }
0x6e: {  	_ =	shalt  }
0x6f: {  	_ =	shalt  }
0x70: {  	_ =	shalt  }
0x71: {  	_ =	shalt  }
0x72: {  	_ =	shalt  }
0x73: {  	_ =	shalt  }
0x74: {  	_ =	shalt  }
0x75: {  	_ =	shalt  }
0x76: {  	_ =	shalt  }
0x77: {  	_ =	shalt  }
0x78: {  	_ =	shalt  }
0x79: {  	_ =	shalt  }
0x7a: {  	_ =	shalt  }
0x7b: {  	_ =	shalt  }
0x7c: {  	_ =	shalt  }
0x7d: {  	_ =	shalt  }
0x7e: {  	_ =	shalt  }
0x7f: {  	_ =	shalt  }
0x80: {  	_ =	shalt  }
0x81: {  	_ =	shalt  }
0x82: {  	_ =	shalt  }
0x83: {  	_ =	shalt  }
0x84: {  	_ =	shalt  }
0x85: {  	_ =	shalt  }
0x86: {  	_ =	shalt  }
0x87: {  	_ =	shalt  }
.Lfunc_end0:
.L_simem_size_0:
called_computation.3_lowered:
.L_overlay_start_0:
0x88: {  	s2 =	sld [smem:$0x3FD9]  }
0x89: {  	s3 =	sld [smem:$0x3FFE];
	_ =	sdelay $0x1  }
0x8a: {  	s1 =	srdreg.scid  }
0x8b: {  	s0 =	sand.u32 $0x1, s1  }
0x8c: {  	s14 =	sshll.u32 s0, $0xA;
	s2 =	sadd.s32 s3, s2  }
0x8d: {  	s2 =	sadd.s32 s2, s14  }
0x8e: {  	[smem:$0x3FB8] =	sst s2  }
0x8f: {  	_ = 	snop  }
0x90: {  	s2 =	sld [smem:$0x3FD0];
	_ =	sdelay $0x1  }
0x91: {  	s15 =	sld [smem:$0x3FC9]  }
0x92: {  	s5 =	simm.s32 $0xA;
	s6 =	simm.s32 $0x10;
	s4 =	sld [smem:$0x3FC8]  }
0x93: {  	[smem:s6], [sflag:s5] =	dma.local [hbm:s2], $0x1  }
0x94: {  	_ =	swait.eq [sflag:s5], $0x1  }
0x95: {  	[sflag:s5] =	ssyncset.done $0x0  }
0x96: {  	[sflag:s5] =	ssyncadd.s32 $0xFFFFFFFF  }
0x97: {  	s16 =	sld [smem:$0x15];
	(tm) =	ssettm $0x1  }
0x98: {  	s17 =	sld [smem:$0x3FFB];
	_ =	sdelay $0x3  }
0x99: {  	_ =	strace s17  }
0x9a: {  	s5 =	sld [smem:$0x3FFC];
	_ =	sdelay $0x3  }
0x9b: {  	_ =	strace s5  }
0x9c: {  	s5 =	sld [smem:$0x3FFD];
	_ =	sdelay $0x3  }
0x9d: {  	_ =	strace s5  }
0x9e: {  	_ =	strace $0x8FFFFFFF  }
0x9f: {  	s18 =	sld [smem:$0x3FDB];
	_ =	sdelay $0x1  }
0xa0: {  	s19 =	simm.s32 $_scs_section_size  }
0xa1: {  	s7 =	simm.s32 $_size__tile_overlayer_lowered;
	s8 =	simm.s32 $_tile_overlayer_lowered  }
0xa2: {  	s22 =	simm.s32 $0x1BFF;
	s21 =	sshll.u32 s8, $0x1;
	s5 =	sadd.s32 s19, s18  }
0xa3: {  	s9 =	simm.s32 $0x0;
	s20 =	sshll.u32 s7, $0x1;
	s7 =	sadd.s32 s21, s5  }
0xa4: {  	[timem:s9], [sflag:s22] =	dma.local [hbm:s7], s20  }
0xa5: {  	_ =	swait.ge [sflag:s22], s20  }
0xa6: {  	s6 =	ssub.s32 $0x0, s20;
	[sflag:s22] =	ssyncset.done $0x0  }
0xa7: {  	[sflag:s22] =	ssyncadd.s32 s6;
	_ =	sdelay $0x1  }
0xa8: {  	s23 =	simm.s32 $0x1B8B  }
0xa9: {  	_ =	swait.ge [sflag:s23], $0x1  }
0xaa: {  	[sflag:s23] =	ssyncset.done $0x0  }
0xab: {  	s25 =	simm.s32 $0x1B8E;
	s24 =	sld [smem:$0x3FFE];
	[sflag:s23] =	ssyncadd.s32 $0xFFFFFFFF  }
0xac: {  	s26 =	simm.s32 $execute0_lowered;
	[smem:$0x3FD2] =	sst s25  }
0xad: {  	s7 =	sshll.u32 s26, $0x1;
	_ =	strace $0x80000046;
	[dreg:$0x1] =	wrdreg $0xFFFFFFFF  }
0xae: {  	s28 =	simm.s32 $_size_execute0_lowered;
	s5 =	sadd.s32 s5, s7;
	[dreg:$0x0] =	wrdreg $0x0  }
0xaf: {  	s7 =	sshll.u32 s28, $0x1;
	[dreg:$0x2] =	wrdreg s5  }
0xb0: {  	[dreg:$0x3] =	wrdreg s7  }
0xb1: {  	[dreg:$0x4] =	wrdreg $0xC0  }
0xb2: {  	_ =	task [dreg:s9], $0x5FFFF  }
0xb3: {  	[dreg:$0x1] =	wrdreg $0xFFFFFFFF  }
0xb4: {  	[dreg:$0x0] =	wrdreg $0x60  }
0xb5: {  	[dreg:$0x2] =	wrdreg s15  }
0xb6: {  	[dreg:$0x3] =	wrdreg s4  }
0xb7: {  	[dreg:$0x4] =	wrdreg s16  }
0xb8: {  	[dreg:$0x5] =	wrdreg s24  }
0xb9: {  	[dreg:$0x6] =	wrdreg $0x9  }
0xba: {  	_ =	task.clear_ibuf [dreg:s9], $0x7FFFF;
	_ =	strace $0x90000046  }
0xbb: {  	s29 =	simm.s32 $0x9;
	_ =	strace $0x80000048  }
0xbc: {  	_ =	swait.ge [sflag:s29], $0x1  }
0xbd: {  	[sflag:s29] =	ssyncadd.s32 $0xFFFFFFFF  }
0xbe: {  	_ =	strace $0x90000048  }
0xbf: {  	_ =	sfence  }
0xc0: {  	s30 =	sld [smem:$0x0];
	_ =	sdelay $0x2  }
0xc1: {  	s31 =	sshll.u32 s1, $0xD;
	s1 =	sshrl.u32 s1, $0x2  }
0xc2: {  	s3 =	sand.u32 $0x4000, s31;
	s1 =	sadd.s32 s1, s30  }
0xc3: {  	s0 =	sor.u32 s3, s0;
	s1 =	sshll.u32 s1, $0x11  }
0xc4: {  	s0 =	sor.u32 s1, s0  }
0xc5: {  	s0 =	sadd.s32 $0x8F2B, s0  }
0xc6: {  	[sflag:s0] =	ssyncadd.remote.s32 $0x1  }
0xc7: {  	_ =	sfence.sel $0xFFFF  }
0xc8: {  	[dreg:$0x0] =	wrdreg $0xFFFFFFFF;
	(pc) =	sbr.abs _section_cstart, $3  }
0xc9: {  	[dreg:$0x1] =	wrdreg $0xFFFFFFFF  }
0xca: {  	_ =	task.clear_ibuf [dreg:s9], $0x2FFFF;
	_ =	strace $0x9FFFFFFF  }
0xcb: {  	(tm) =	ssettm $0x7FFFFFFF  }
tec
execute0_lowered:
.L_overlay_start_1:
0x0: {  	(tag) =	ssettag $0x1  }
0x1: {  	s1 =	rddreg [dreg:$0x0]  }
0x2: {  	s2 =	rddreg [dreg:$0x1]  }
0x3: {  	s3 =	rddreg [dreg:$0x2]  }
0x4: {  	s6 =	rddreg [dreg:$0x3]  }
0x5: {  	s5 =	srdreg.scid;
	s0 =	rddreg [dreg:$0x4];
	s4 =	simm.s32 $0x0  }
0x6: {  	s10 =	simm.s32 $0x100;
	s11 =	simm.s32 $0x8100;
	s12 =	simm.s32 $0x1  }
0x7: {  	s13 =	simm.s32 $0x2;
	s14 =	simm.s32 $0x0;
	s7 =	sand.u32 $0x1, s5  }
0x8: {  	[smem:$0x7FF] =	sst s4;
	s5 =	stileid.u32;
	s8 =	ssub.s32 $0x2, s7  }
0x9: {  	s6 =	sadd.s32 $0x10400, s6;
	_ =	strace $0x80000047;
	s9 =	sshrl.u32 s8, $0x1  }
0xa: {  	s31 =	sshll.u32 s5, $0xD;
	s7 =	sshll.u32 s7, $0xC;
	s8 =	ssub.s32 s8, s9  }
0xb: {  	s7 =	sor.u32 s7, s31;
	s9 =	simm.s32 $0x3;
	s8 =	smax.u32 s8, $0x1  }
.LBB2_1:
0xc: {  	s15 =	simm.s32 $0x0  }
.LBB2_2:
0xd: {  	s16 =	sshll.u32 s15, $0x8  }
0xe: {  	s16 =	sadd.s32 s7, s16  }
0xf: {  	s17 =	sshrl.u32 s16, $0x3  }
0x10: {  	s18 =	simm.s32 $0x0;
	s17 =	sadd.s32 s3, s17  }
0x11: {  	[tilespmem:s18], [sflag:$0x3] =	stream.linear.gather [hbm4b:s17+s18], $0x100, $0x38;
	[tilespmem:$0x10100] =	vst v63  }
0x12: {  	_ =	swait.ge [sflag:s9], $0x100  }
0x13: {  	[sflag:s9] =	ssyncset.done $0x0  }
0x14: {  	[sflag:s9] =	ssyncadd.s32 $0xFFFFFF00  }
0x15: {  	[tilespmem:s10], [sflag:$0x1] =	stream.indirect.gather [hbm4b:s1+s10], $0x80, s18, s10, $0xb8;
	[tilespmem:$0x10100] =	vst v63  }
0x16: {  	_ = 	snop  }
0x17: {  	[tilespmem:s11], [sflag:$0x2] =	stream.indirect.gather [hbm4b:s2+s10], $0x80, s18, s10, $0xb8;
	[tilespmem:$0x10100] =	vst v63  }
0x18: {  	_ =	swait.ge [sflag:s12], $0x8000  }
0x19: {  	[sflag:s12] =	ssyncset.done $0x0  }
0x1a: {  	[sflag:s12] =	ssyncadd.s32 $0xFFFF8000  }
0x1b: {  	_ =	swait.ge [sflag:s13], $0x8000  }
0x1c: {  	[sflag:s13] =	ssyncset.done $0x0  }
0x1d: {  	s17 =	simm.s32 $0x0;
	[sflag:s13] =	ssyncadd.s32 $0xFFFF8000  }
0x1e: {  	v7 =	vld [tilespmem:s17+$0x8100]  }
0x1f: {  	v11 =	vld [tilespmem:s17+$0x8110]  }
0x20: {  	v5 =	vld [tilespmem:s17+$0x8120]  }
0x21: {  	v4 =	vld [tilespmem:s17+$0x8130]  }
0x22: {  	v3 =	vld [tilespmem:s17+$0x8140]  }
0x23: {  	v2 =	vld [tilespmem:s17+$0x8150]  }
0x24: {  	v1 =	vld [tilespmem:s17+$0x8160]  }
0x25: {  	v0 =	vld [tilespmem:s17+$0x8170]  }
0x26: {  	v12 =	vld [tilespmem:s17+$0x100]  }
0x27: {  	v13 =	vld [tilespmem:s17+$0x110]  }
0x28: {  	v10 =	vld [tilespmem:s17+$0x120]  }
0x29: {  	v9 =	vld [tilespmem:s17+$0x130]  }
0x2a: {  	v8 =	vld [tilespmem:s17+$0x140]  }
0x2b: {  	v6 =	vld [tilespmem:s17+$0x150];
	v12 =	vadd.f32 v7, v12  }
0x2c: {  	s18 =	simm.s32 $0x200;
	v11 =	vadd.f32 v11, v13;
	v7 =	vld [tilespmem:s17+$0x160]  }
.LBB2_3:
0x2d: {  	s19 =	sshra.s32 s18, $0x2;
	p0 =	sne.s32 s18, $0x1FE00;
	[tilespmem:s17+$0x100] =	vst v12;
	v5 =	vadd.f32 v5, v10;
	v10 =	vld [tilespmem:s17+$0x170]  }
0x2e: {  	v12 =	vld [tilespmem:s19+$0x8100];
	[tilespmem:s17+$0x110] =	vst v11;
	v4 =	vadd.f32 v4, v9  }
0x2f: {  	v11 =	vld [tilespmem:s19+$0x8110];
	[tilespmem:s17+$0x120] =	vst v5;
	v3 =	vadd.f32 v3, v8  }
0x30: {  	v5 =	vld [tilespmem:s19+$0x8120];
	[tilespmem:s17+$0x130] =	vst v4;
	v2 =	vadd.f32 v2, v6  }
0x31: {  	v4 =	vld [tilespmem:s19+$0x8130];
	[tilespmem:s17+$0x140] =	vst v3;
	v1 =	vadd.f32 v1, v7  }
0x32: {  	v3 =	vld [tilespmem:s19+$0x8140];
	[tilespmem:s17+$0x150] =	vst v2;
	v0 =	vadd.f32 v0, v10  }
0x33: {  	v2 =	vld [tilespmem:s19+$0x8150];
	[tilespmem:s17+$0x160] =	vst v1  }
0x34: {  	v1 =	vld [tilespmem:s19+$0x8160];
	[tilespmem:s17+$0x170] =	vst v0;
	s17 =	smov.u32 s19  }
0x35: {  	v0 =	vld [tilespmem:s17+$0x8170]  }
0x36: {  	v6 =	vld [tilespmem:s17+$0x100]  }
0x37: {  	v7 =	vld [tilespmem:s17+$0x110]  }
.Ltmp0:
0x38: {  	v10 =	vld [tilespmem:s17+$0x120];
	(pc) =	sbr.rel @p0 .LBB2_3-.Ltmp0, $4  }
0x39: {  	v9 =	vld [tilespmem:s17+$0x130]  }
0x3a: {  	v8 =	vld [tilespmem:s17+$0x140]  }
0x3b: {  	v12 =	vadd.f32 v12, v6;
	v6 =	vld [tilespmem:s17+$0x150]  }
0x3c: {  	s18 =	sadd.s32 $0x200, s18;
	v11 =	vadd.f32 v11, v7;
	v7 =	vld [tilespmem:s17+$0x160]  }
0x3d: {  	[tilespmem:s17+$0x100] =	vst v12;
	v5 =	vadd.f32 v5, v10;
	v63 =	vld [tilespmem:s17+$0x170]  }
0x3e: {  	[tilespmem:s17+$0x110] =	vst v11;
	v4 =	vadd.f32 v4, v9  }
0x3f: {  	[tilespmem:s17+$0x120] =	vst v5;
	v3 =	vadd.f32 v3, v8  }
0x40: {  	[tilespmem:s17+$0x130] =	vst v4;
	v2 =	vadd.f32 v2, v6  }
0x41: {  	[tilespmem:s17+$0x140] =	vst v3;
	v1 =	vadd.f32 v1, v7  }
0x42: {  	s15 =	sadd.s32 $0x1, s15;
	[tilespmem:s17+$0x150] =	vst v2;
	v0 =	vadd.f32 v0, v63  }
0x43: {  	s16 =	sshll.u32 s16, $0x4;
	p0 =	sne.s32 s15, $0x10;
	[tilespmem:s17+$0x160] =	vst v1  }
.Ltmp1:
0x44: {  	s16 =	sadd.s32 s6, s16;
	[tilespmem:s17+$0x170] =	vst v0;
	(pc) =	sbr.rel @p0 .LBB2_2-.Ltmp1, $4  }
0x45: {  	[hbm4b:s16+s4] =	stream.linear.scatter [tilespmem:s10], [sflag:$0x3], $0x8000, $0x38;
	[tilespmem:$0x10100] =	vst v63  }
0x46: {  	_ =	swait.ge [sflag:s9], $0x8000  }
0x47: {  	[sflag:s9] =	ssyncset.done $0x0  }
0x48: {  	[sflag:s9] =	ssyncadd.s32 $0xFFFF8000  }
0x49: {  	s14 =	sadd.s32 $0x1, s14  }
0x4a: {  	p0 =	sne.s32 s14, s8  }
.Ltmp2:
0x4b: {  	_ = 	snop;
	(pc) =	sbr.rel @p0 .LBB2_1-.Ltmp2, $1  }
0x4c: {  	_ =	sdelay $0x3  }
0x4d: {  	_ =	sfence.sel $0x180000  }
0x4e: {  	[bflag:$0x0] =	sbarrier.arrive $0xFFFF  }
0x4f: {  	p0 =	sne.s32 s5, $0x0;
	_ =	strace $0x90000047  }
0x50: {  	s0 =	sadd.s32 @!p0 $0x100000, s0;
	[bflag:$0x2] =	sbarrier.arrive $0xFFFF  }
0x51: {  	[sflag:s0] =	ssyncadd.tile.s32 @!p0 $0x1;
	_ =	shalt  }
.Lfunc_end2:
_tile_overlayer_lowered:
.L_overlay_start_2:
0x52: {  	(tag) =	ssettag $0x2  }
0x53: {  	s0 =	rddreg [dreg:$0x0];
	s2 =	stileid.u32  }
0x54: {  	s1 =	rddreg [dreg:$0x1];
	p0 =	sne.s32 s2, $0x0  }
0x55: {  	s3 =	rddreg [dreg:$0x2];
	[bflag:$0x3] =	sbarrier.arrive $0xFFFF;
	s2 =	simm.s32 @!p0 $0x1C03  }
0x56: {  	[timem:s3], [sflag:s2] =	dma.local @!p0 [hbm:s0], s1  }
0x57: {  	s0 =	simm.s32 @!p0 $0x3  }
0x58: {  	_ =	swait.ge @!p0 [sflag:s0], s1  }
0x59: {  	s1 =	ssub.s32 @!p0 $0x0, s1;
	[sflag:s0] =	ssyncset.done @!p0 $0x0  }
0x5a: {  	[sflag:s0] =	ssyncadd.s32 @!p0 s1  }
0x5b: {  	[bflag:$0x3] =	sbarrier.arrive $0xFFFF  }
0x5c: {  	_ =	shalt  }

// kernel: scatter_offload_async_start.1
scs
__scs_entry_jumppad:
0x0: {  	(pc) =	sbr.rel $0x88, $3  }
0x1: {  	(tag) =	ssettag $0x0;
	lr =	simm.s32 $0x1  }
0x2: {  	[smem:$0x3F91] =	sst lr;
	_ =	strace $0xD0000000  }
0x3: {  	_ = 	snop  }
0x4: {  	_ = 	snop  }
0x5: {  	_ = 	snop  }
0x6: {  	_ = 	snop  }
0x7: {  	_ = 	snop  }
__scs_overlays_trampoline_lowered:
0x8: {  	[smem:$0x3FA0] =	sst s0  }
0x9: {  	[smem:$0x3FA1] =	sst s1  }
0xa: {  	[smem:$0x3FA2] =	sst s2  }
0xb: {  	[smem:$0x3FA3] =	sst s3  }
0xc: {  	[smem:$0x3FA4] =	sst s4  }
0xd: {  	[smem:$0x3FA5] =	sst s5  }
0xe: {  	[smem:$0x3FA6] =	sst s6  }
0xf: {  	[smem:$0x3FA7] =	sst s7  }
0x10: {  	[smem:$0x3FA8] =	sst s8  }
0x11: {  	[smem:$0x3FA9] =	sst s9;
	s0 =	simm.s32 @!p0 $0x0  }
0x12: {  	s1 =	sld [smem:$0x3F8F];
	s0 =	simm.s32 @p0 $0x1  }
0x13: {  	[smem:$0x3FAA] =	sst s0;
	s0 =	simm.s32 @!p1 $0x0  }
0x14: {  	s2 =	sld [smem:$0x3F8E];
	s0 =	simm.s32 @p1 $0x1  }
0x15: {  	[smem:$0x3FAB] =	sst s0;
	s0 =	simm.s32 @!p2 $0x0  }
0x16: {  	s3 =	sld [smem:$0x3FDB];
	s0 =	simm.s32 @p2 $0x1  }
0x17: {  	s4 =	simm.s32 $0x1BF5;
	[smem:$0x3FAD] =	sst s0  }
0x18: {  	s0 =	sld [smem:$0x3F90];
	_ =	swait.ge [sflag:s4], $0x0  }
0x19: {  	s7 =	sld [smem:$0x3F91]  }
0x1a: {  	s8 =	sadd.s32 $0xFFFFE003, lr  }
0x1b: {  	s9 =	sadd.s32 $0xFFFFFEF7, lr;
	s5 =	simm.s32 $0xFFFFFFFF;
	p2 =	slt.u32 s8, $0xFFFFF086  }
0x1c: {  	p1 =	slt.u32 s9, $0xF7A;
	s5 =	simm.s32 @!p2 $0x0  }
0x1d: {  	s5 =	simm.s32 @p1 $0x1;
	p0 =	seq.s32 s7, s2  }
0x1e: {  	s7 =	smul.u32 @!p0 $0xF7A, s2;
	p2 =	seq.s32 @!p0 s5, $0x0  }
0x1f: {  	s9 =	smul.u32 $0xF7A, s1;
	s8 =	simm.s32 @!p0 $0x1BF5;
	p2 =	por !p2, p0  }
0x20: {  	[sflag:s8] =	ssyncset.s32 @!p0 $0xFFFFF086;
	s6 =	sadd.s32 @!p0 s3, s7;
	s7 =	simm.s32 @!p0 $0x108  }
0x21: {  	s3 =	sadd.s32 s3, s9;
	s6 =	sadd.s32 @!p0 $0x88, s6;
	s7 =	simm.s32 @p2 $0x1082  }
0x22: {  	[simem:s7], [sflag:s8] =	dma.local @!p0 [hbm:s6], $0xF7A  }
0x23: {  	s9 =	sor.u32 $0xD0000000, s2;
	s6 =	simm.s32 $0x108;
	_ =	swait.ge @!p0 [sflag:s8], $0x0  }
0x24: {  	s3 =	sadd.s32 $0x88, s3;
	s6 =	simm.s32 @!p1 $0x1082;
	[sflag:s4] =	ssyncset.s32 $0xFFFFF086  }
0x25: {  	[simem:s6], [sflag:s4] =	dma.local [hbm:s3], $0xF7A  }
0x26: {  	[smem:$0x3F91] =	sst s1;
	(tag) =	ssettag s2;
	_ =	strace s9  }
0x27: {  	s1 =	sld [smem:$0x3FA1]  }
0x28: {  	s2 =	sld [smem:$0x3FA2]  }
0x29: {  	s4 =	sld [smem:$0x3FA4]  }
0x2a: {  	p0 =	seq.s32 s5, $0x0;
	s5 =	sld [smem:$0x3FA5]  }
0x2b: {  	s6 =	sld [smem:$0x3FA6]  }
0x2c: {  	s7 =	sld [smem:$0x3FA7]  }
0x2d: {  	s3 =	simm.s32 $0x108;
	s8 =	sld [smem:$0x3FA8]  }
0x2e: {  	s3 =	simm.s32 @!p0 $0x1082;
	s9 =	sld [smem:$0x3FA9]  }
0x2f: {  	lr =	sadd.s32 s0, s3;
	s0 =	sld [smem:$0x3FA0]  }
0x30: {  	s3 =	sld [smem:$0x3FA3]  }
0x31: {  	[smem:$0x3FAC] =	sst s10  }
0x32: {  	s10 =	sld [smem:$0x3FAA];
	_ =	sdelay $0x3  }
0x33: {  	p0 =	seq.s32 s10, $0x1;
	s10 =	sld [smem:$0x3FAC];
	_ =	sdelay $0x3  }
0x34: {  	[smem:$0x3FAC] =	sst s10  }
0x35: {  	s10 =	sld [smem:$0x3FAB];
	_ =	sdelay $0x3  }
0x36: {  	p1 =	seq.s32 s10, $0x1;
	s10 =	sld [smem:$0x3FAC];
	_ =	sdelay $0x3  }
0x37: {  	[smem:$0x3FAC] =	sst s10  }
0x38: {  	s10 =	sld [smem:$0x3FAD]  }
0x39: {  	_ = 	snop;
	(pc) =	sbr.ind lr, $3  }
0x3a: {  	_ = 	snop  }
0x3b: {  	_ = 	snop  }
0x3c: {  	p2 =	seq.s32 s10, $0x1;
	s10 =	sld [smem:$0x3FAC]  }
0x3d: {  	_ =	shalt  }
0x3e: {  	_ =	shalt  }
0x3f: {  	_ =	shalt  }
0x40: {  	_ =	shalt  }
0x41: {  	_ =	shalt  }
0x42: {  	_ =	shalt  }
0x43: {  	_ =	shalt  }
0x44: {  	_ =	shalt  }
0x45: {  	_ =	shalt  }
0x46: {  	_ =	shalt  }
0x47: {  	_ =	shalt  }
0x48: {  	_ =	shalt  }
0x49: {  	_ =	shalt  }
0x4a: {  	_ =	shalt  }
0x4b: {  	_ =	shalt  }
0x4c: {  	_ =	shalt  }
0x4d: {  	_ =	shalt  }
0x4e: {  	_ =	shalt  }
0x4f: {  	_ =	shalt  }
0x50: {  	_ =	shalt  }
0x51: {  	_ =	shalt  }
0x52: {  	_ =	shalt  }
0x53: {  	_ =	shalt  }
0x54: {  	_ =	shalt  }
0x55: {  	_ =	shalt  }
0x56: {  	_ =	shalt  }
0x57: {  	_ =	shalt  }
0x58: {  	_ =	shalt  }
0x59: {  	_ =	shalt  }
0x5a: {  	_ =	shalt  }
0x5b: {  	_ =	shalt  }
0x5c: {  	_ =	shalt  }
0x5d: {  	_ =	shalt  }
0x5e: {  	_ =	shalt  }
0x5f: {  	_ =	shalt  }
0x60: {  	_ =	shalt  }
0x61: {  	_ =	shalt  }
0x62: {  	_ =	shalt  }
0x63: {  	_ =	shalt  }
0x64: {  	_ =	shalt  }
0x65: {  	_ =	shalt  }
0x66: {  	_ =	shalt  }
0x67: {  	_ =	shalt  }
0x68: {  	_ =	shalt  }
0x69: {  	_ =	shalt  }
0x6a: {  	_ =	shalt  }
0x6b: {  	_ =	shalt  }
0x6c: {  	_ =	shalt  }
0x6d: {  	_ =	shalt  }
0x6e: {  	_ =	shalt  }
0x6f: {  	_ =	shalt  }
0x70: {  	_ =	shalt  }
0x71: {  	_ =	shalt  }
0x72: {  	_ =	shalt  }
0x73: {  	_ =	shalt  }
0x74: {  	_ =	shalt  }
0x75: {  	_ =	shalt  }
0x76: {  	_ =	shalt  }
0x77: {  	_ =	shalt  }
0x78: {  	_ =	shalt  }
0x79: {  	_ =	shalt  }
0x7a: {  	_ =	shalt  }
0x7b: {  	_ =	shalt  }
0x7c: {  	_ =	shalt  }
0x7d: {  	_ =	shalt  }
0x7e: {  	_ =	shalt  }
0x7f: {  	_ =	shalt  }
0x80: {  	_ =	shalt  }
0x81: {  	_ =	shalt  }
0x82: {  	_ =	shalt  }
0x83: {  	_ =	shalt  }
0x84: {  	_ =	shalt  }
0x85: {  	_ =	shalt  }
0x86: {  	_ =	shalt  }
0x87: {  	_ =	shalt  }
.Lfunc_end0:
.L_simem_size_0:
called_computation.1_lowered:
.L_overlay_start_0:
0x88: {  	s2 =	sld [smem:$0x3FD9]  }
0x89: {  	s3 =	sld [smem:$0x3FFE];
	_ =	sdelay $0x1  }
0x8a: {  	s1 =	srdreg.scid  }
0x8b: {  	s0 =	sand.u32 $0x1, s1  }
0x8c: {  	s13 =	sshll.u32 s0, $0xA;
	s2 =	sadd.s32 s3, s2  }
0x8d: {  	s2 =	sadd.s32 s2, s13  }
0x8e: {  	[smem:$0x3FB8] =	sst s2  }
0x8f: {  	_ = 	snop  }
0x90: {  	s2 =	sld [smem:$0x3FD0];
	_ =	sdelay $0x2  }
0x91: {  	s14 =	simm.s32 $0xA;
	s4 =	simm.s32 $0x10  }
0x92: {  	[smem:s4], [sflag:s14] =	dma.local [hbm:s2], $0x1  }
0x93: {  	_ =	swait.eq [sflag:s14], $0x1  }
0x94: {  	[sflag:s14] =	ssyncset.done $0x0  }
0x95: {  	[sflag:s14] =	ssyncadd.s32 $0xFFFFFFFF  }
0x96: {  	s15 =	sld [smem:$0x13];
	(tm) =	ssettm $0x1  }
0x97: {  	s16 =	sld [smem:$0x3FFB];
	_ =	sdelay $0x3  }
0x98: {  	_ =	strace s16  }
0x99: {  	s3 =	sld [smem:$0x3FFC];
	_ =	sdelay $0x3  }
0x9a: {  	_ =	strace s3  }
0x9b: {  	s3 =	sld [smem:$0x3FFD];
	_ =	sdelay $0x3  }
0x9c: {  	_ =	strace s3  }
0x9d: {  	_ =	strace $0x8FFFFFFF  }
0x9e: {  	s17 =	sld [smem:$0x3FDB];
	_ =	sdelay $0x1  }
0x9f: {  	s18 =	simm.s32 $_scs_section_size  }
0xa0: {  	s5 =	simm.s32 $_size__tile_overlayer_lowered;
	s6 =	simm.s32 $_tile_overlayer_lowered  }
0xa1: {  	s21 =	simm.s32 $0x1BFF;
	s20 =	sshll.u32 s6, $0x1;
	s3 =	sadd.s32 s18, s17  }
0xa2: {  	s7 =	simm.s32 $0x0;
	s19 =	sshll.u32 s5, $0x1;
	s5 =	sadd.s32 s20, s3  }
0xa3: {  	[timem:s7], [sflag:s21] =	dma.local [hbm:s5], s19  }
0xa4: {  	_ =	swait.ge [sflag:s21], s19  }
0xa5: {  	s4 =	ssub.s32 $0x0, s19;
	[sflag:s21] =	ssyncset.done $0x0  }
0xa6: {  	[sflag:s21] =	ssyncadd.s32 s4;
	_ =	sdelay $0x1  }
0xa7: {  	s22 =	simm.s32 $0x1B8B  }
0xa8: {  	_ =	swait.ge [sflag:s22], $0x1  }
0xa9: {  	[sflag:s22] =	ssyncset.done $0x0  }
0xaa: {  	s23 =	sld [smem:$0x3FFE];
	[sflag:s22] =	ssyncadd.s32 $0xFFFFFFFF  }
0xab: {  	s25 =	simm.s32 $0x1B8E;
	s24 =	sld [smem:$0x0]  }
0xac: {  	s26 =	simm.s32 $execute0_lowered;
	[smem:$0x3FD2] =	sst s25  }
0xad: {  	s6 =	sshll.u32 s26, $0x1;
	_ =	strace $0x8000004C;
	[dreg:$0x1] =	wrdreg $0xFFFFFFFF  }
0xae: {  	s28 =	simm.s32 $_size_execute0_lowered;
	s3 =	sadd.s32 s3, s6;
	[dreg:$0x0] =	wrdreg $0x0  }
0xaf: {  	s6 =	sshll.u32 s28, $0x1;
	[dreg:$0x2] =	wrdreg s3  }
0xb0: {  	[dreg:$0x3] =	wrdreg s6  }
0xb1: {  	[dreg:$0x4] =	wrdreg $0xC0  }
0xb2: {  	_ =	task [dreg:s7], $0x5FFFF  }
0xb3: {  	[dreg:$0x1] =	wrdreg $0xFFFFFFFF  }
0xb4: {  	[dreg:$0x0] =	wrdreg $0x60  }
0xb5: {  	[dreg:$0x2] =	wrdreg s15  }
0xb6: {  	[dreg:$0x3] =	wrdreg s23  }
0xb7: {  	[dreg:$0x4] =	wrdreg s1  }
0xb8: {  	[dreg:$0x5] =	wrdreg s24  }
0xb9: {  	[dreg:$0x6] =	wrdreg $0x9  }
0xba: {  	_ =	task.clear_ibuf [dreg:s7], $0x7FFFF;
	_ =	strace $0x9000004C  }
0xbb: {  	s29 =	simm.s32 $0x9;
	_ =	strace $0x8000004E  }
0xbc: {  	_ =	swait.ge [sflag:s29], $0x1  }
0xbd: {  	[sflag:s29] =	ssyncadd.s32 $0xFFFFFFFF  }
0xbe: {  	_ =	strace $0x9000004E  }
0xbf: {  	_ =	sfence  }
0xc0: {  	s30 =	sld [smem:$0x0];
	_ =	sdelay $0x2  }
0xc1: {  	s31 =	sshll.u32 s1, $0xD;
	s1 =	sshrl.u32 s1, $0x2  }
0xc2: {  	s3 =	sand.u32 $0x4000, s31;
	s1 =	sadd.s32 s1, s30  }
0xc3: {  	s0 =	sor.u32 s3, s0;
	s1 =	sshll.u32 s1, $0x11  }
0xc4: {  	s0 =	sor.u32 s1, s0  }
0xc5: {  	s0 =	sadd.s32 $0x8F2B, s0  }
0xc6: {  	[sflag:s0] =	ssyncadd.remote.s32 $0x1  }
0xc7: {  	_ =	sfence.sel $0xFFFF  }
0xc8: {  	[dreg:$0x0] =	wrdreg $0xFFFFFFFF;
	(pc) =	sbr.abs _section_cstart, $3  }
0xc9: {  	[dreg:$0x1] =	wrdreg $0xFFFFFFFF  }
0xca: {  	_ =	task.clear_ibuf [dreg:s7], $0x2FFFF;
	_ =	strace $0x9FFFFFFF  }
0xcb: {  	(tm) =	ssettm $0x7FFFFFFF  }
tec
execute0_lowered:
.L_overlay_start_1:
0x0: {  	(tag) =	ssettag $0x1  }
0x1: {  	s1 =	rddreg [dreg:$0x0]  }
0x2: {  	s2 =	rddreg [dreg:$0x1]  }
0x3: {  	s3 =	rddreg [dreg:$0x2];
	_ =	strace $0x8000004D;
	s0 =	simm.s32 $0x1  }
0x4: {  	v0 =	vimm.s32 $0x0;
	[sflag:s0] =	ssyncpa.u1 $0x0;
	s0 =	simm.s32 $0x108  }
0x5: {  	[tilespmem:s0+$0x70] =	vst v0  }
0x6: {  	[tilespmem:s0+$0x60] =	vst v0  }
0x7: {  	[tilespmem:s0+$0x50] =	vst v0  }
0x8: {  	[tilespmem:s0+$0x40] =	vst v0  }
0x9: {  	s15 =	sadd.s32 $0x210400, s2;
	[tilespmem:s0+$0x30] =	vst v0  }
0xa: {  	s6 =	sadd.s32 $0x21C400, s2;
	s3 =	sand.u32 $0x1, s3;
	s14 =	sadd.s32 $0x214400, s2;
	[tilespmem:s0+$0x20] =	vst v0  }
0xb: {  	[dreg:$0x5] =	wrdreg s3;
	s16 =	sshll.u32 s3, $0xD;
	s3 =	simm.s32 $0x40;
	[tilespmem:s0+$0x10] =	vst v0  }
.LBB2_1:
0xc: {  	s3 =	sadd.s32 $0x40, s3;
	[tilespmem:s0+$0x0] =	vst v0;
	s0 =	sadd.s32 $0x80, s0  }
0xd: {  	p0 =	slt.u32 s3, $0x3C40;
	[tilespmem:s0+$0x70] =	vst v0  }
0xe: {  	[tilespmem:s0+$0x60] =	vst v0  }
.Ltmp0:
0xf: {  	[tilespmem:s0+$0x50] =	vst v0;
	(pc) =	sbr.rel @p0 .LBB2_1-.Ltmp0, $4  }
0x10: {  	[tilespmem:s0+$0x40] =	vst v0  }
0x11: {  	[tilespmem:s0+$0x30] =	vst v0  }
0x12: {  	[tilespmem:s0+$0x20] =	vst v0  }
0x13: {  	[tilespmem:s0+$0x10] =	vst v0  }
0x14: {  	s5 =	stileid.u32  }
0x15: {  	s2 =	smul.u32 $0x11, s5  }
0x16: {  	s3 =	smin.u32 s5, $0x2  }
0x17: {  	s2 =	sadd.s32 s3, s2  }
0x18: {  	p0 =	slt.u32 s5, $0x2;
	s7 =	smul.u32 $0xF0, s2;
	s2 =	simm.s32 $0x10E0  }
0x19: {  	s2 =	simm.s32 @!p0 $0xFF0  }
0x1a: {  	s2 =	sadd.s32 s2, s7  }
0x1b: {  	s8 =	smin.u32 s2, $0x10000  }
0x1c: {  	s2 =	ssub.s32 s8, s7  }
0x1d: {  	p0 =	sgt.s32 s2, $0x0  }
0x1e: {  	s2 =	simm.s32 @!p0 $0x0  }
0x1f: {  	s30 =	simm.s32 $0x2;
	s10 =	simm.s32 $0x9;
	s29 =	smulhi.u32 $0x88888889, s2  }
0x20: {  	s4 =	simm.s32 $0xA;
	s11 =	simm.s32 $0xB;
	s12 =	simm.s32 $0x1  }
0x21: {  	s14 =	sadd.s32 s16, s14;
	s15 =	sadd.s32 s16, s15;
	s31 =	sshrl.u32 s29, $0x7  }
0x22: {  	s22 =	simm.s32 $0x0;
	s18 =	simm.s32 $0xC;
	s3 =	smul.u32 $0xF0, s31  }
.Ltmp1:
0x23: {  	[tilespmem:s0+$0x0] =	vst v0;
	v0 =	vimm.s32 $0xFFFFFFFF;
	s20 =	simm.s32 $0x0;
	[sflag:s30] =	ssyncpa.u1 $0x0;
	(pc) =	sbr.rel .LBB2_3-.Ltmp1, $4  }
0x24: {  	[tilespmem:$0xF208] =	vst v0;
	[sflag:s10] =	ssyncpa.u1 $0x0;
	p0 =	sne.s32 s2, s3;
	s2 =	simm.s32 $0x1  }
0x25: {  	s21 =	simm.s32 $0x0;
	[sflag:s4] =	ssyncpa.u1 $0x0;
	s2 =	simm.s32 @!p0 $0x0  }
0x26: {  	s16 =	sshll.u32 s5, $0x8;
	[sflag:s11] =	ssyncpa.u1 $0x0;
	s13 =	sadd.s32 s2, s31  }
0x27: {  	v0 =	vlaneseq.u32;
	s19 =	smov.u32 s7;
	p0 =	por $0x0, $0x0;
	s17 =	sadd.s32 $0x1, s13  }
.LBB2_18:
0x28: {  	s0 =	sshrl.u32 s31, $0x2  }
.LBB2_20:
0x29: {  	_ =	swait.ge [sflag:s18], s0  }
0x2a: {  	s31 =	ssub.s32 $0x0, s0;
	v1 =	vmov s24;
	vm0 =	veq.s32 v0, $0x0;
	[sflag:s18] =	ssyncset.done $0x0  }
0x2b: {  	vm15 =	veq.s32 v0, $0x2;
	v1 =	vsel vm0, s30, v1;
	[sflag:s18] =	ssyncadd.s32 s31  }
0x2c: {  	v1 =	vsel vm15, s22, v1;
	[sflag:s18] =	ssyncpa.u1 $0x1  }
0x2d: {  	[tilespmem:$0xF208] =	vst v1  }
.LBB2_21:
0x2e: {  	s0 =	sadd.s32 $0xF0, s19  }
0x2f: {  	s2 =	smov.u32 s7;
	p1 =	slt.s32 s0, s8  }
0x30: {  	s2 =	smov.u32 @p1 s0;
	p1 =	sne.s32 s21, s17  }
.Ltmp2:
0x31: {  	_ = 	snop;
	(pc) =	sbr.rel @!p1 .LBB2_22-.Ltmp2, $3  }
0x32: {  	_ =	sdelay $0x1  }
0x33: {  	s22 =	smov.u32 s20;
	s31 =	sadd.s32 $0x1, s21;
	s20 =	smov.u32 s19  }
0x34: {  	p0 =	por !p0, !p0;
	s21 =	smov.u32 s31;
	s19 =	smov.u32 s2  }
.LBB2_3:
0x35: {  	p1 =	sge.u32 s21, s13  }
0x36: {  	s0 =	smulhi.u32 @!p1 $0xAAAAAAAB, s21  }
0x37: {  	s2 =	smov.u32 s19;
	p2 =	sgt.s32 @!p1 s19, $0xFF10  }
0x38: {  	s3 =	sshra.s32 @!p1 s19, $0x1F;
	p2 =	por !p2, p1;
	s0 =	sshrl.u32 @!p1 s0, $0x1  }
0x39: {  	s3 =	sand.u32 @!p1 s3, s19;
	s2 =	simm.s32 @p2 $0xFF10;
	s0 =	smul.u32 @!p1 $0x3, s0  }
0x3a: {  	s2 =	ssub.s32 @!p1 s2, s3  }
0x3b: {  	s2 =	sadd.s32 @!p1 $0xFFFF00F0, s2;
	s0 =	ssub.s32 @!p1 s21, s0  }
0x3c: {  	s3 =	sshll.u32 @!p1 s2, $0x2;
	p2 =	sgt.s32 @!p1 s2, $0xEF;
	s0 =	smul.u32 @!p1 $0x3C0, s0  }
0x3d: {  	s4 =	sand.u32 @!p1 $0x7, s19;
	s2 =	ssub.s32 @!p1 $0x3C0, s3;
	p2 =	por !p2, p1  }
0x3e: {  	s3 =	sshrl.u32 @!p1 s19, $0x3;
	s2 =	sshrl.u32 @!p1 s2, $0x2;
	s0 =	sshrl.u32 @!p1 s0, $0x2  }
0x3f: {  	s3 =	sadd.s32 @!p1 s3, s14;
	s2 =	simm.s32 @!p2 $0x0;
	s0 =	sadd.s32 @!p1 $0x10248, s0  }
0x40: {  	[tilespmem:s0], [sflag:$0xA] =	stream.linear.gather @!p1 [hbm4b:s3+s4], s2, $0x38;
	[tilespmem:$0x1F6F8] =	vst v63  }
0x41: {  	s0 =	sadd.s32 $0xFFFFFFFF, s21  }
0x42: {  	p1 =	sge.u32 s0, s13  }
0x43: {  	p2 =	sgt.s32 @!p1 s20, $0xFF10  }
0x44: {  	s2 =	smov.u32 s20;
	s3 =	sshra.s32 @!p1 s20, $0x1F;
	p2 =	por !p2, p1  }
0x45: {  	s3 =	sand.u32 @!p1 s3, s20;
	s2 =	simm.s32 @p2 $0xFF10  }
0x46: {  	s2 =	ssub.s32 @!p1 s2, s3  }
0x47: {  	s2 =	sadd.s32 @!p1 $0xFFFF00F0, s2  }
0x48: {  	s4 =	sand.u32 @!p1 $0x1, s0;
	s3 =	sshll.u32 @!p1 s2, $0x2  }
0x49: {  	p2 =	sgt.s32 @!p1 s2, $0xEF;
	s2 =	ssub.s32 @!p1 $0x3C0, s3;
	s3 =	smulhi.u32 @!p1 $0xAAAAAAAB, s0  }
0x4a: {  	s23 =	smul.u32 @!p1 $0x3C0, s4;
	p2 =	por !p2, p1;
	s2 =	sshrl.u32 @!p1 s2, $0x2  }
0x4b: {  	s5 =	simm.s32 @!p1 $0xA;
	s2 =	simm.s32 @!p2 $0x0;
	s3 =	sshrl.u32 @!p1 s3, $0x1  }
0x4c: {  	s23 =	sshrl.u32 @!p1 s23, $0x2;
	_ =	swait.ge @!p1 [sflag:s5], s2;
	s3 =	smul.u32 @!p1 $0x3, s3  }
0x4d: {  	s23 =	sadd.s32 @!p1 $0x10518, s23;
	s24 =	ssub.s32 @!p1 $0x0, s2;
	[sflag:s5] =	ssyncset.done @!p1 $0x0  }
0x4e: {  	[sflag:s5] =	ssyncadd.s32 @!p1 s24;
	s5 =	sshrl.u32 @!p1 s20, $0x3;
	s0 =	ssub.s32 @!p1 s0, s3  }
0x4f: {  	s24 =	sand.u32 @!p1 $0x7, s20;
	s5 =	sadd.s32 @!p1 s5, s15;
	s0 =	smul.u32 @!p1 $0x3C0, s0  }
0x50: {  	[tilespmem:s23], [sflag:$0xB] =	stream.linear.gather @!p1 [hbm4b:s5+s24], s2, $0x38;
	[tilespmem:$0x1F6F8] =	vst v63  }
0x51: {  	s3 =	ssub.s32 @!p1 $0x10000, s20;
	s2 =	smul.u32 @!p1 $0x1E000, s4  }
0x52: {  	p2 =	slt.s32 @!p1 s3, $0xF0  }
0x53: {  	p2 =	por !p2, p1;
	s0 =	sshrl.u32 @!p1 s0, $0x2;
	s2 =	sshrl.u32 @!p1 s2, $0x2  }
0x54: {  	s3 =	simm.s32 @p2 $0xF0;
	s0 =	sadd.s32 @!p1 $0x10248, s0;
	s2 =	sor.u32 @!p1 $0x106F8, s2  }
0x55: {  	[tilespmem:s2], [sflag:$0x9] =	stream.indirect.gather @!p1 [hbm4b:s6+s3], $0x80, s0, s3, $0xb8;
	[tilespmem:$0x1F6F8] =	vst v63  }
0x56: {  	p1 =	slt.u32 s21, $0x2  }
.Ltmp3:
0x57: {  	_ = 	snop;
	(pc) =	sbr.rel @p1 .LBB2_21-.Ltmp3, $1  }
0x58: {  	_ =	sdelay $0x3  }
0x59: {  	p1 =	sgt.s32 s22, $0xFF10  }
0x5a: {  	s0 =	smov.u32 s22;
	s2 =	sshra.s32 s22, $0x1F;
	s3 =	ssub.s32 $0x10000, s22  }
0x5b: {  	s0 =	simm.s32 @!p1 $0xFF10;
	s2 =	sand.u32 s2, s22;
	p1 =	slt.s32 s3, $0xF0  }
0x5c: {  	s0 =	ssub.s32 s0, s2;
	s3 =	simm.s32 @!p1 $0xF0  }
0x5d: {  	s0 =	sadd.s32 $0xFFFF00F0, s0;
	s25 =	sshll.u32 s3, $0x7  }
0x5e: {  	s26 =	sshll.u32 s0, $0x2;
	s2 =	sand.u32 $0x3FFFFF80, s25  }
0x5f: {  	p1 =	sgt.s32 s0, $0xEF;
	s29 =	ssub.s32 $0x3C0, s26;
	_ =	swait.ge [sflag:s10], s2  }
0x60: {  	s2 =	ssub.s32 $0x0, s2;
	[sflag:s10] =	ssyncset.done $0x0;
	s0 =	sshrl.u32 s29, $0x2  }
0x61: {  	[sflag:s10] =	ssyncadd.s32 s2;
	s0 =	simm.s32 @p1 $0x0  }
0x62: {  	_ =	swait.ge [sflag:s11], s0  }
0x63: {  	s0 =	ssub.s32 $0x0, s0;
	[sflag:s11] =	ssyncset.done $0x0  }
0x64: {  	[sflag:s11] =	ssyncadd.s32 s0  }
0x65: {  	v1 =	vld [tilespmem:$0xF208];
	_ =	sdelay $0x4  }
0x66: {  	(v2sf) =	vpush v1, $0x0  }
0x67: {  	(v2sf) =	vpush v1, $0x1  }
0x68: {  	(v2sf) =	vpush v1, $0x2;
	_ =	sdelay $0x3  }
0x69: {  	s0 =	sadd.s32 $0xF0, s22  }
0x6a: {  	s2 =	ssub.s32 $0x20000, s22;
	p1 =	slt.s32 s8, s0  }
0x6b: {  	s0 =	smov.u32 @p1 s8;
	p1 =	sgt.s32 s2, $0x0  }
0x6c: {  	s26 =	ssub.s32 s0, s22;
	s2 =	simm.s32 @!p1 $0x0  }
0x6d: {  	p1 =	slt.s32 s2, s26  }
0x6e: {  	s26 =	smov.u32 @p1 s2  }
0x6f: {  	s25 =	simm.s32 $0x1;
	p1 =	slt.s32 s26, $0x1  }
.Ltmp4:
0x70: {  	s25 =	simm.s32 @!p0 $0x0;
	(pc) =	sbr.rel @p1 .LBB2_8-.Ltmp4, $4  }
0x71: {  	s31 =	smul.u32 $0x3C0, s25  }
0x72: {  	s28 =	spop (v2sf)  }
0x73: {  	s0 =	sshrl.u32 s31, $0x2;
	s30 =	spop (v2sf)  }
0x74: {  	s23 =	sadd.s32 $0x10518, s0;
	s22 =	spop (v2sf)  }
0x75: {  	s0 =	smin.u32 s26, $0x10  }
0x76: {  	v1 =	vmov s0  }
0x77: {  	p2 =	sgt.s32 s26, $0x10;
	vm1 =	vgt.u32 v1, v0  }
.Ltmp5:
0x78: {  	_ = 	snop;
	(pc) =	sbr.rel @!p2 .LBB2_7-.Ltmp5, $2  }
0x79: {  	_ =	sdelay $0x2  }
0x7a: {  	s4 =	simm.s32 $0x10;
	s24 =	sadd.s32 $0xFFFFFFF0, s26;
	s0 =	smov.u32 s23;
	vm0 =	vmmov vm1  }
.LBB2_6:
0x7b: {  	s2 =	smin.u32 s24, $0x10;
	s4 =	sadd.s32 $0x10, s4;
	v1 =	vld.msk [tilespmem:s0+$0x0 ss:$0x1], vm1  }
0x7c: {  	v2 =	vmov s2;
	p2 =	slt.s32 s4, s26  }
0x7d: {  	vm1 =	vgt.u32 v2, v0  }
.Ltmp6:
0x7e: {  	(pc) =	sbr.rel @p2 .LBB2_6-.Ltmp6, $3  }
0x7f: {  	_ =	sdelay $0x1  }
0x80: {  	v1 =	vshll.u32 v1, $0x4  }
0x81: {  	s24 =	sadd.s32 $0xFFFFFFF0, s24;
	[tilespmem:s0+$0x0] =	vst.msk vm0, v1;
	s0 =	sadd.s32 $0x10, s0;
	vm0 =	vmmov vm1  }
.LBB2_7:
0x82: {  	_ =	sdelay $0x4  }
0x83: {  	v1 =	vld.msk [tilespmem:s0+$0x0 ss:$0x1], vm1;
	_ =	sdelay $0x4  }
0x84: {  	v1 =	vshll.u32 v1, $0x4  }
0x85: {  	[tilespmem:s0+$0x0] =	vst.msk vm0, v1  }
.LBB2_8:
0x86: {  	s0 =	sand.u32 $0x1, s21  }
0x87: {  	s0 =	smul.u32 $0xF0, s0  }
0x88: {  	p2 =	sne.s32 s30, $0xFFFFFFFF  }
0x89: {  	v1 =	vld.msk @!p2 [tilespmem:s0+$0x10518], $0x1;
	_ =	sdelay $0x4  }
0x8a: {  	(v2sf) =	vpush @!p2 v1, $0x0;
	_ =	sdelay $0xc  }
.Ltmp7:
0x8b: {  	_ = 	snop;
	(pc) =	sbr.rel @p1 .LBB2_19-.Ltmp7, $4  }
0x8c: {  	_ = 	snop  }
0x8d: {  	s29 =	spop @!p2 (v2sf)  }
0x8e: {  	s22 =	simm.s32 @!p2 $0x0;
	s24 =	smov.u32 s29  }
0x8f: {  	[sflag:s18] =	ssyncpa.u1 $0x0;
	s29 =	smov.u32 @p2 s28;
	s24 =	smov.u32 @p2 s30  }
0x90: {  	v1 =	vld.msk [tilespmem:s23+$0x0], $0x1;
	_ =	sdelay $0x4  }
0x91: {  	(v2sf) =	vpush v1, $0x0;
	_ =	sdelay $0xe  }
0x92: {  	s2 =	smul.u32 $0x1E000, s25;
	s0 =	spop (v2sf)  }
0x93: {  	s26 =	ssub.s32 $0x0, s26;
	p1 =	seq.s32 s29, s0  }
0x94: {  	s30 =	sadd.s32 $0x1, s26;
	s2 =	sshrl.u32 s2, $0x2;
	p2 =	sgt.s32 @!p1 s29, $0x0  }
0x95: {  	s25 =	sor.u32 $0x10738, s2;
	s2 =	smov.u32 s29;
	p2 =	por !p2, p1  }
0x96: {  	s2 =	simm.s32 @p2 $0x0;
	p2 =	seq.s32 s30, $0x0  }
.Ltmp8:
0x97: {  	_ = 	snop;
	(pc) =	sbr.rel @p2 .LBB2_11-.Ltmp8, $4  }
0x98: {  	_ = 	snop  }
0x99: {  	s28 =	simm.s32 $0x0;
	s31 =	sadd.s32 $0x1, s23;
	s2 =	smin.u32 @!p1 s2, $0xFFF0  }
0x9a: {  	s4 =	simm.s32 @!p1 $0x1;
	s5 =	simm.s32 @!p1 $0x7988;
	s3 =	sand.u32 @!p1 $0xFFF8, s2  }
0x9b: {  	s4 =	smov.u32 @p1 s28;
	s2 =	sand.u32 @!p1 $0x7, s2;
	s3 =	sadd.s32 @!p1 s1, s3  }
.LBB2_10:
0x9c: {  	s9 =	smov.u32 s4  }
0x9d: {  	[tilespmem:s5], [sflag:$0x2] =	stream.linear.gather @!p1 [hbm4b:s3+s2], $0x80, $0x38;
	[tilespmem:$0x1F6F8] =	vst v63  }
0x9e: {  	s30 =	sadd.s32 $0x1, s30;
	s2 =	smov.u32 s0;
	v1 =	vld.msk [tilespmem:s31+$0x0], $0x1  }
0x9f: {  	p2 =	seq.s32 s30, $0x0;
	_ =	sdelay $0x3  }
0xa0: {  	(v2sf) =	vpush v1, $0x0;
	_ =	sdelay $0xe  }
0xa1: {  	s0 =	spop (v2sf)  }
0xa2: {  	p1 =	seq.s32 s2, s0  }
0xa3: {  	p3 =	sgt.s32 @!p1 s2, $0x0;
	s3 =	sshll.u32 @!p1 s4, $0x9;
	s4 =	sadd.s32 @!p1 $0x1, s4  }
.Ltmp9:
0xa4: {  	p3 =	por !p3, p1;
	s3 =	sshra.s32 @!p1 s3, $0x2;
	(pc) =	sbr.rel @!p2 .LBB2_10-.Ltmp9, $4  }
0xa5: {  	s4 =	smov.u32 @p1 s9;
	s2 =	simm.s32 @p3 $0x0;
	s5 =	sadd.s32 @!p1 $0x7988, s3  }
0xa6: {  	s2 =	smin.u32 @!p1 s2, $0xFFF0  }
0xa7: {  	s3 =	sand.u32 @!p1 $0xFFF8, s2;
	s2 =	sand.u32 @!p1 $0x7, s2  }
0xa8: {  	s31 =	sadd.s32 $0x1, s31;
	s3 =	sadd.s32 @!p1 s1, s3  }
.LBB2_11:
0xa9: {  	[tilespmem:s5], [sflag:$0x2] =	stream.linear.gather @!p1 [hbm4b:s3+s2], $0x80, $0x38;
	[tilespmem:$0x1F6F8] =	vst v63  }
.Ltmp10:
0xaa: {  	s0 =	sshll.u32 s4, $0x7;
	(pc) =	sbr.rel .LBB2_12-.Ltmp10, $4  }
0xab: {  	s30 =	simm.s32 $0x2;
	s0 =	sand.u32 $0x3FFFFF80, s0  }
0xac: {  	_ =	swait.ge [sflag:s30], s0  }
0xad: {  	s0 =	ssub.s32 $0x0, s0;
	[sflag:s30] =	ssyncset.done $0x0  }
0xae: {  	s31 =	simm.s32 $0x0;
	[sflag:s30] =	ssyncadd.s32 s0  }
.LBB2_13:
0xaf: {  	v1 =	vld [tilespmem:s25+$0xFFFFFFC0];
	_ =	sdelay $0x3  }
0xb0: {  	s0 =	sshra.s32 s0, $0x2  }
0xb1: {  	[tilespmem:s0+$0x108] =	vst.add.f32.msk $0xffff, v1  }
0xb2: {  	v1 =	vld [tilespmem:s25+$0xFFFFFFD0];
	_ =	sdelay $0x4  }
0xb3: {  	[tilespmem:s0+$0x118] =	vst.add.f32.msk $0xffff, v1  }
0xb4: {  	v1 =	vld [tilespmem:s25+$0xFFFFFFE0];
	_ =	sdelay $0x4  }
0xb5: {  	[tilespmem:s0+$0x128] =	vst.add.f32.msk $0xffff, v1  }
0xb6: {  	v1 =	vld [tilespmem:s25+$0xFFFFFFF0];
	_ =	sdelay $0x4  }
0xb7: {  	[tilespmem:s0+$0x138] =	vst.add.f32.msk $0xffff, v1  }
0xb8: {  	v1 =	vld [tilespmem:s25+$0x0];
	_ =	sdelay $0x4  }
0xb9: {  	[tilespmem:s0+$0x148] =	vst.add.f32.msk $0xffff, v1  }
0xba: {  	v1 =	vld [tilespmem:s25+$0x10];
	_ =	sdelay $0x4  }
0xbb: {  	[tilespmem:s0+$0x158] =	vst.add.f32.msk $0xffff, v1  }
0xbc: {  	v1 =	vld [tilespmem:s25+$0x20];
	_ =	sdelay $0x4  }
0xbd: {  	[tilespmem:s0+$0x168] =	vst.add.f32.msk $0xffff, v1  }
0xbe: {  	v1 =	vld [tilespmem:s25+$0x30];
	_ =	sdelay $0x4  }
0xbf: {  	[tilespmem:s0+$0x178] =	vst.add.f32.msk $0xffff, v1  }
.LBB2_17:
0xc0: {  	s26 =	sadd.s32 $0x1, s26  }
0xc1: {  	p1 =	seq.s32 s26, $0x0  }
.Ltmp11:
0xc2: {  	_ = 	snop;
	(pc) =	sbr.rel @p1 .LBB2_18-.Ltmp11, $2  }
0xc3: {  	_ =	sdelay $0x2  }
0xc4: {  	s23 =	sadd.s32 $0x1, s23;
	s25 =	sadd.s32 $0x80, s25;
	s29 =	smov.u32 s30  }
.LBB2_12:
0xc5: {  	v1 =	vld.msk [tilespmem:s23+$0x0], $0x1;
	_ =	sdelay $0x4  }
0xc6: {  	(v2sf) =	vpush v1, $0x0;
	_ =	sdelay $0xe  }
0xc7: {  	s30 =	spop (v2sf)  }
0xc8: {  	p1 =	sne.s32 s29, s30  }
.Ltmp12:
0xc9: {  	_ = 	snop;
	(pc) =	sbr.rel @!p1 .LBB2_13-.Ltmp12, $2  }
0xca: {  	_ =	sdelay $0x2  }
0xcb: {  	s0 =	sshll.u32 s22, $0x9  }
0xcc: {  	p1 =	seq.s32 s29, s24  }
.Ltmp13:
0xcd: {  	_ = 	snop;
	(pc) =	sbr.rel @!p1 .LBB2_15-.Ltmp13, $1  }
0xce: {  	_ =	sdelay $0x3  }
0xcf: {  	s0 =	sshra.s32 s0, $0x2  }
.Ltmp14:
0xd0: {  	s0 =	sadd.s32 $0x108, s0;
	(pc) =	sbr.rel .LBB2_16-.Ltmp14, $4  }
0xd1: {  	[spmem:s16] =	stream.linear.scatter [tilespmem:s0], [sflag:$0x1], $0x80, $0x38;
	[tilespmem:$0x1F6F8] =	vst v63  }
0xd2: {  	_ =	swait.ge [sflag:s12], $0x80  }
0xd3: {  	[sflag:s12] =	ssyncset.done $0x0  }
0xd4: {  	[sflag:s12] =	ssyncadd.s32 $0xFFFFFF80  }
.LBB2_15:
0xd5: {  	s2 =	sshll.u32 s28, $0x9  }
0xd6: {  	s2 =	sshra.s32 s2, $0x2  }
0xd7: {  	v1 =	vld [tilespmem:s2+$0x7988];
	_ =	sdelay $0x3  }
0xd8: {  	s0 =	sshra.s32 s0, $0x2  }
0xd9: {  	[tilespmem:s0+$0x108] =	vst.add.f32.msk $0xffff, v1  }
0xda: {  	v1 =	vld [tilespmem:s2+$0x7998];
	_ =	sdelay $0x4  }
0xdb: {  	[tilespmem:s0+$0x118] =	vst.add.f32.msk $0xffff, v1  }
0xdc: {  	v1 =	vld [tilespmem:s2+$0x79A8];
	_ =	sdelay $0x4  }
0xdd: {  	[tilespmem:s0+$0x128] =	vst.add.f32.msk $0xffff, v1  }
0xde: {  	v1 =	vld [tilespmem:s2+$0x79B8];
	_ =	sdelay $0x4  }
0xdf: {  	[tilespmem:s0+$0x138] =	vst.add.f32.msk $0xffff, v1  }
0xe0: {  	v1 =	vld [tilespmem:s2+$0x79C8];
	_ =	sdelay $0x4  }
0xe1: {  	[tilespmem:s0+$0x148] =	vst.add.f32.msk $0xffff, v1  }
0xe2: {  	v1 =	vld [tilespmem:s2+$0x79D8];
	_ =	sdelay $0x4  }
0xe3: {  	[tilespmem:s0+$0x158] =	vst.add.f32.msk $0xffff, v1  }
0xe4: {  	v1 =	vld [tilespmem:s2+$0x79E8];
	_ =	sdelay $0x4  }
0xe5: {  	[tilespmem:s0+$0x168] =	vst.add.f32.msk $0xffff, v1  }
0xe6: {  	v1 =	vld [tilespmem:s2+$0x79F8];
	_ =	sdelay $0x2  }
0xe7: {  	p1 =	sgt.u32 s29, $0xFFF0  }
0xe8: {  	s2 =	sand.u32 @!p1 $0xFFF8, s29  }
0xe9: {  	s3 =	sadd.s32 $0x108, s0;
	[tilespmem:s0+$0x178] =	vst.add.f32.msk $0xffff, v1;
	s0 =	sadd.s32 @!p1 s1, s2;
	s2 =	sand.u32 @!p1 $0x7, s29  }
0xea: {  	[hbm4b:s0+s2] =	stream.linear.scatter @!p1 [tilespmem:s3], [sflag:$0xC], $0x80, $0x38;
	[tilespmem:$0x1F6F8] =	vst v63  }
0xeb: {  	s0 =	simm.s32 $0x0  }
0xec: {  	s0 =	simm.s32 @!p1 $0x200  }
0xed: {  	s31 =	sadd.s32 s0, s31  }
.LBB2_16:
0xee: {  	s0 =	sadd.s32 $0x1, s22  }
0xef: {  	s2 =	smulhi.u32 $0x88888889, s0;
	_ =	sdelay $0x1  }
0xf0: {  	v1 =	vld [tilespmem:s25+$0xFFFFFFC0];
	s2 =	sshrl.u32 s2, $0x7  }
0xf1: {  	s2 =	smul.u32 $0xF0, s2;
	_ =	sdelay $0x1  }
0xf2: {  	s22 =	ssub.s32 s0, s2  }
0xf3: {  	s0 =	sshll.u32 s22, $0x7  }
0xf4: {  	[tilespmem:s0+$0x108] =	vst v1  }
0xf5: {  	v1 =	vld [tilespmem:s25+$0xFFFFFFD0];
	_ =	sdelay $0x4  }
0xf6: {  	[tilespmem:s0+$0x118] =	vst v1  }
0xf7: {  	v1 =	vld [tilespmem:s25+$0xFFFFFFE0];
	_ =	sdelay $0x4  }
0xf8: {  	[tilespmem:s0+$0x128] =	vst v1  }
0xf9: {  	v1 =	vld [tilespmem:s25+$0xFFFFFFF0];
	_ =	sdelay $0x4  }
0xfa: {  	[tilespmem:s0+$0x138] =	vst v1  }
0xfb: {  	v1 =	vld [tilespmem:s25+$0x0];
	_ =	sdelay $0x4  }
0xfc: {  	[tilespmem:s0+$0x148] =	vst v1  }
0xfd: {  	v1 =	vld [tilespmem:s25+$0x10];
	_ =	sdelay $0x4  }
0xfe: {  	[tilespmem:s0+$0x158] =	vst v1  }
0xff: {  	v1 =	vld [tilespmem:s25+$0x20];
	_ =	sdelay $0x4  }
0x100: {  	[tilespmem:s0+$0x168] =	vst v1  }
0x101: {  	v1 =	vld [tilespmem:s25+$0x30]  }
.Ltmp15:
0x102: {  	_ = 	snop;
	(pc) =	sbr.rel .LBB2_17-.Ltmp15, $2  }
0x103: {  	_ =	sdelay $0x2  }
0x104: {  	s28 =	sadd.s32 $0x1, s28;
	[tilespmem:s0+$0x178] =	vst v1  }
.LBB2_19:
.Ltmp16:
0x105: {  	(pc) =	sbr.rel .LBB2_20-.Ltmp16, $4  }
0x106: {  	_ = 	snop  }
0x107: {  	s0 =	simm.s32 $0x2  }
0x108: {  	_ =	swait.ge [sflag:s0], $0x0  }
0x109: {  	s30 =	smov.u32 s29;
	[sflag:s0] =	ssyncset.done $0x0;
	s0 =	simm.s32 $0x0  }
.LBB2_22:
0x10a: {  	_ =	sfence.sel $0x180000  }
0x10b: {  	s0 =	simm.s32 $0x9;
	[bflag:$0x0] =	sbarrier.arrive $0xFFFF  }
0x10c: {  	s24 =	simm.s32 $0xA;
	[sflag:s0] =	ssyncpa.u1 $0x1  }
0x10d: {  	s25 =	simm.s32 $0xB;
	[sflag:s24] =	ssyncpa.u1 $0x1  }
0x10e: {  	s26 =	simm.s32 $0x2;
	[sflag:s25] =	ssyncpa.u1 $0x1  }
0x10f: {  	[sflag:s26] =	ssyncpa.u1 $0x1  }
0x110: {  	v0 =	vld [tilespmem:$0xF208];
	_ =	sdelay $0x4  }
0x111: {  	(v2sf) =	vpush v0, $0x0  }
0x112: {  	(v2sf) =	vpush v0, $0x1;
	_ =	sdelay $0x1  }
0x113: {  	(v2sf) =	vpush v0, $0x2;
	_ =	sdelay $0xb  }
0x114: {  	s0 =	spop (v2sf)  }
0x115: {  	s2 =	spop (v2sf)  }
0x116: {  	s3 =	smov.u32 s0;
	p0 =	sne.s32 s0, s2  }
0x117: {  	s4 =	spop (v2sf);
	s3 =	simm.s32 @!p0 $0xFFFFFFFF  }
0x118: {  	v2 =	vimm.s32 $0x1;
	v3 =	vlaneseq.u32;
	p0 =	seq.s32 s4, $0xFFFFFFFF;
	v1 =	vmov s3  }
0x119: {  	s16 =	stileid.u32;
	v0 =	vperm.xlane v0, v2;
	p1 =	sne.s32 @!p0 s0, s2;
	v1 =	vperm.xlane v1, v3  }
0x11a: {  	vm0 =	vcmask $0x3F04;
	s6 =	simm.s32 $0xF208;
	s0 =	simm.s32 @!p0 $0x1;
	p1 =	por !p1, p0  }
0x11b: {  	s3 =	sshll.u32 s16, $0x1;
	s2 =	sshll.u32 @!p0 s4, $0x9;
	s0 =	simm.s32 @p1 $0x0;
	v0 =	vsel vm0, v1, v0  }
0x11c: {  	s5 =	sor.u32 $0x1000, s3;
	s2 =	sshra.s32 @!p0 s2, $0x2;
	s0 =	sor.u32 @!p0 s0, s3;
	[tilespmem:$0xF208] =	vst v0  }
0x11d: {  	[spmem:s5] =	stream.linear.scatter [tilespmem:s6], [sflag:$0x1], $0x2, $0x38;
	[tilespmem:$0x1F6F8] =	vst v63  }
0x11e: {  	s2 =	sadd.s32 @!p0 $0x108, s2;
	s0 =	sshll.u32 @!p0 s0, $0x7  }
0x11f: {  	[spmem:s0] =	stream.linear.scatter @!p0 [tilespmem:s2], [sflag:$0x1], $0x80, $0x38;
	[tilespmem:$0x1F6F8] =	vst v63  }
0x120: {  	s0 =	simm.s32 @!p0 $0x82  }
0x121: {  	s28 =	simm.s32 $0x1;
	s0 =	simm.s32 @p0 $0x2  }
0x122: {  	_ =	swait.ge [sflag:s28], s0  }
0x123: {  	s0 =	ssub.s32 $0x0, s0;
	[sflag:s28] =	ssyncset.done $0x0  }
0x124: {  	p0 =	sne.s32 s16, $0x0;
	[sflag:s28] =	ssyncadd.s32 s0  }
.Ltmp17:
0x125: {  	_ =	sfence.stream.spmem;
	(pc) =	sbr.rel @p0 .LBB2_39-.Ltmp17, $4  }
0x126: {  	s29 =	simm.s32 $0x3;
	[bflag:$0x0] =	sbarrier.arrive $0xFFFF  }
0x127: {  	s30 =	simm.s32 $0x4;
	[sflag:s29] =	ssyncpa.u1 $0x1  }
0x128: {  	s31 =	simm.s32 $0x3C;
	[sflag:s30] =	ssyncpa.u1 $0x1  }
0x129: {  	s15 =	rddreg [dreg:$0x5];
	[sflag:s31] =	ssyncpa.u1 $0x1  }
0x12a: {  	_ =	sfence.stream.spmem;
	s0 =	simm.s32 $0x5  }
0x12b: {  	s2 =	simm.s32 $0x1000;
	s3 =	simm.s32 $0xF218;
	[sflag:s0] =	ssyncpa.u1 $0x0  }
0x12c: {  	[tilespmem:s3], [sflag:$0x5] =	stream.linear.gather [spmem:s2], $0x20, $0x38;
	[tilespmem:$0x1F6F8] =	vst v63  }
0x12d: {  	s26 =	simm.s32 $0x0;
	s28 =	simm.s32 $0xF238  }
0x12e: {  	[tilespmem:s28], [sflag:$0x5] =	stream.linear.gather [spmem:s26], $0x1000, $0x38;
	[tilespmem:$0x1F6F8] =	vst v63  }
0x12f: {  	_ =	swait.ge [sflag:s0], $0x1020  }
0x130: {  	[sflag:s0] =	ssyncset.done $0x0  }
0x131: {  	s29 =	simm.s32 $0x0;
	[sflag:s0] =	ssyncadd.s32 $0xFFFFEFE0  }
0x132: {  	v0 =	vld.msk [tilespmem:s29+$0xF218], $0x1;
	_ =	sdelay $0x1  }
0x133: {  	s30 =	simm.s32 $0x1  }
0x134: {  	v1 =	vld.msk [tilespmem:s30+$0xF218], $0x1;
	_ =	sdelay $0x1  }
0x135: {  	(v2sf) =	vpush v0, $0x0;
	_ =	sdelay $0x2  }
0x136: {  	(v2sf) =	vpush v1, $0x0;
	_ =	sdelay $0x2  }
0x137: {  	s31 =	simm.s32 $0x2  }
0x138: {  	v0 =	vld.msk [tilespmem:s31+$0xF218], $0x1;
	_ =	sdelay $0x2  }
0x139: {  	s4 =	simm.s32 $0xFFFFFFFF;
	s5 =	simm.s32 $0xFFFFFFFF;
	s0 =	simm.s32 $0xC  }
.LBB2_24:
0x13a: {  	s2 =	smov.u32 s5;
	s3 =	smov.u32 s4  }
0x13b: {  	s4 =	sshra.s32 s0, $0x2;
	p1 =	sne.s32 s0, $0x7C;
	s0 =	sadd.s32 $0x4, s0;
	(v2sf) =	vpush v0, $0x0  }
0x13c: {  	v0 =	vld.msk [tilespmem:s4+$0xF218], $0x1  }
.Ltmp18:
0x13d: {  	(pc) =	sbr.rel @p1 .LBB2_24-.Ltmp18, $4  }
0x13e: {  	s5 =	spop (v2sf)  }
0x13f: {  	p2 =	sne.s32 s3, $0xFFFFFFFF;
	s4 =	smov.u32 s5  }
0x140: {  	p3 =	seq.s32 s5, $0xFFFFFFFF;
	s4 =	smov.u32 @p2 s3  }
0x141: {  	s5 =	smov.u32 @p3 s2;
	s4 =	smov.u32 @p3 s3  }
0x142: {  	(v2sf) =	vpush v0, $0x0;
	_ =	sdelay $0x8  }
0x143: {  	s0 =	spop (v2sf)  }
0x144: {  	p1 =	sne.s32 s4, $0xFFFFFFFF;
	s2 =	smov.u32 s0  }
0x145: {  	s9 =	simm.s32 $0x6;
	p2 =	seq.s32 s0, $0xFFFFFFFF;
	s2 =	smov.u32 @p1 s4  }
0x146: {  	s6 =	simm.s32 $0x0;
	s2 =	smov.u32 @p2 s4;
	s3 =	spop (v2sf)  }
0x147: {  	s0 =	smov.u32 @p2 s5;
	p1 =	sne.s32 s2, $0xFFFFFFFF;
	s4 =	smov.u32 s3  }
.Ltmp19:
0x148: {  	p2 =	seq.s32 s3, $0xFFFFFFFF;
	s4 =	smov.u32 @p1 s2;
	(pc) =	sbr.rel .LBB2_26-.Ltmp19, $4  }
0x149: {  	s10 =	simm.s32 $0xF188;
	s4 =	smov.u32 @p2 s2;
	s7 =	spop (v2sf)  }
0x14a: {  	s11 =	simm.s32 $0x0;
	p1 =	sne.s32 s4, $0xFFFFFFFF;
	s8 =	smov.u32 s7  }
0x14b: {  	s3 =	smov.u32 @p2 s0;
	p2 =	seq.s32 s7, $0xFFFFFFFF;
	s8 =	smov.u32 @p1 s4  }
0x14c: {  	[sflag:s9] =	ssyncpa.u1 $0x0;
	s7 =	smov.u32 @p2 s3;
	s8 =	smov.u32 @p2 s4  }
.LBB2_32:
0x14d: {  	p1 =	sgt.u32 s12, $0xFFF0  }
0x14e: {  	p2 =	seq.s32 @!p1 s12, s8  }
0x14f: {  	p1 =	por p1, p2  }
0x150: {  	p2 =	sne.s32 @!p1 s12, s7  }
0x151: {  	p1 =	por p1, !p2  }
0x152: {  	s0 =	sshll.u32 @p1 s11, $0x9  }
0x153: {  	s0 =	sand.u32 @!p1 $0xFFF8, s12  }
0x154: {  	s2 =	sand.u32 @!p1 $0x7, s12;
	s0 =	sadd.s32 @!p1 s1, s0  }
0x155: {  	[tilespmem:s10], [sflag:$0x6] =	stream.linear.gather @!p1 [hbm4b:s0+s2], $0x80, $0x38;
	[tilespmem:$0x1F6F8] =	vst v63  }
0x156: {  	_ =	swait.ge @!p1 [sflag:s9], $0x80  }
0x157: {  	[sflag:s9] =	ssyncset.done @!p1 $0x0  }
0x158: {  	[sflag:s9] =	ssyncadd.s32 @!p1 $0xFFFFFF80  }
0x159: {  	v1 =	vld @!p1 [tilespmem:$0xF188];
	_ =	sdelay $0x2  }
0x15a: {  	s0 =	sshll.u32 @!p1 s11, $0x9  }
0x15b: {  	s2 =	sshrl.u32 @!p1 s0, $0x2  }
0x15c: {  	[tilespmem:s2+$0xF238] =	vst.add.f32.msk @!p1 $0xffff, v1  }
0x15d: {  	v1 =	vld @!p1 [tilespmem:$0xF198];
	_ =	sdelay $0x4  }
0x15e: {  	[tilespmem:s2+$0xF248] =	vst.add.f32.msk @!p1 $0xffff, v1  }
0x15f: {  	v1 =	vld @!p1 [tilespmem:$0xF1A8];
	_ =	sdelay $0x4  }
0x160: {  	[tilespmem:s2+$0xF258] =	vst.add.f32.msk @!p1 $0xffff, v1  }
0x161: {  	v1 =	vld @!p1 [tilespmem:$0xF1B8];
	_ =	sdelay $0x4  }
0x162: {  	[tilespmem:s2+$0xF268] =	vst.add.f32.msk @!p1 $0xffff, v1  }
0x163: {  	v1 =	vld @!p1 [tilespmem:$0xF1C8];
	_ =	sdelay $0x4  }
0x164: {  	[tilespmem:s2+$0xF278] =	vst.add.f32.msk @!p1 $0xffff, v1  }
0x165: {  	v1 =	vld @!p1 [tilespmem:$0xF1D8];
	_ =	sdelay $0x4  }
0x166: {  	[tilespmem:s2+$0xF288] =	vst.add.f32.msk @!p1 $0xffff, v1  }
0x167: {  	v1 =	vld @!p1 [tilespmem:$0xF1E8];
	_ =	sdelay $0x4  }
0x168: {  	[tilespmem:s2+$0xF298] =	vst.add.f32.msk @!p1 $0xffff, v1  }
0x169: {  	v1 =	vld @!p1 [tilespmem:$0xF1F8];
	_ =	sdelay $0x4  }
0x16a: {  	[tilespmem:s2+$0xF2A8] =	vst.add.f32.msk @!p1 $0xffff, v1  }
0x16b: {  	s0 =	sshrl.u32 s0, $0x2;
	[tilespmem:s6+$0xF218] =	vst.msk $0x1, v0  }
0x16c: {  	v0 =	vld [tilespmem:s0+$0xF238];
	_ =	sdelay $0x2  }
0x16d: {  	s31 =	sshll.u32 s6, $0x9  }
0x16e: {  	s2 =	sshra.s32 s31, $0x2  }
0x16f: {  	[tilespmem:s2+$0xF238] =	vst v0  }
0x170: {  	v0 =	vld [tilespmem:s0+$0xF248];
	_ =	sdelay $0x4  }
0x171: {  	[tilespmem:s2+$0xF248] =	vst v0  }
0x172: {  	v0 =	vld [tilespmem:s0+$0xF258];
	_ =	sdelay $0x4  }
0x173: {  	[tilespmem:s2+$0xF258] =	vst v0  }
0x174: {  	v0 =	vld [tilespmem:s0+$0xF268];
	_ =	sdelay $0x4  }
0x175: {  	[tilespmem:s2+$0xF268] =	vst v0  }
0x176: {  	v0 =	vld [tilespmem:s0+$0xF278];
	_ =	sdelay $0x4  }
0x177: {  	[tilespmem:s2+$0xF278] =	vst v0  }
0x178: {  	v0 =	vld [tilespmem:s0+$0xF288];
	_ =	sdelay $0x4  }
0x179: {  	[tilespmem:s2+$0xF288] =	vst v0  }
0x17a: {  	v0 =	vld [tilespmem:s0+$0xF298];
	_ =	sdelay $0x4  }
0x17b: {  	[tilespmem:s2+$0xF298] =	vst v0  }
0x17c: {  	v0 =	vld [tilespmem:s0+$0xF2A8];
	_ =	sdelay $0x4  }
0x17d: {  	s6 =	sadd.s32 $0x1, s6;
	[tilespmem:s2+$0xF2A8] =	vst v0  }
.LBB2_33:
0x17e: {  	s11 =	sadd.s32 $0x1, s11  }
0x17f: {  	p1 =	sne.s32 s11, $0x20  }
.Ltmp20:
0x180: {  	_ = 	snop;
	(pc) =	sbr.rel @!p1 .LBB2_34-.Ltmp20, $1  }
0x181: {  	_ =	sdelay $0x3  }
.LBB2_26:
0x182: {  	v0 =	vld.msk [tilespmem:s11+$0xF218], $0x1;
	_ =	sdelay $0x4  }
0x183: {  	(v2sf) =	vpush v0, $0x0;
	_ =	sdelay $0xe  }
0x184: {  	s12 =	spop (v2sf)  }
0x185: {  	p1 =	seq.s32 s12, $0xFFFFFFFF  }
.Ltmp21:
0x186: {  	_ = 	snop;
	(pc) =	sbr.rel @p1 .LBB2_33-.Ltmp21, $1  }
0x187: {  	_ =	sdelay $0x3  }
0x188: {  	p1 =	slt.s32 s6, $0x1  }
.Ltmp22:
0x189: {  	_ = 	snop;
	(pc) =	sbr.rel @p1 .LBB2_32-.Ltmp22, $1  }
0x18a: {  	_ =	sdelay $0x3  }
0x18b: {  	s13 =	simm.s32 $0xF218;
	p1 =	por $0x0, $0x0  }
0x18c: {  	v1 =	vld.msk @!p1 [tilespmem:s13+$0x0], $0x1;
	_ =	sdelay $0x4  }
0x18d: {  	(v2sf) =	vpush @!p1 v1, $0x0;
	_ =	sdelay $0xd  }
0x18e: {  	p3 =	sne.s32 s6, $0x1  }
.Ltmp23:
0x18f: {  	s0 =	spop @!p1 (v2sf);
	(pc) =	sbr.rel @!p3 .LBB2_30-.Ltmp23, $4  }
0x190: {  	p2 =	seq.s32 @!p1 s12, s0  }
0x191: {  	s14 =	simm.s32 $0x0;
	p2 =	por !p2, p1  }
0x192: {  	s2 =	simm.s32 $0xFFFFFFFF;
	s14 =	simm.s32 @p2 $0xFFFFFFFF  }
0x193: {  	s0 =	simm.s32 $0x1;
	s14 =	smov.u32 @p1 s2  }
.LBB2_29:
0x194: {  	s2 =	smov.u32 s14;
	p1 =	sne.s32 s14, $0xFFFFFFFF  }
0x195: {  	s13 =	sadd.s32 $0x1, s13;
	s14 =	smov.u32 s0;
	s0 =	sadd.s32 $0x1, s0  }
0x196: {  	p2 =	sne.s32 s6, s0;
	v1 =	vld.msk @!p1 [tilespmem:s13+$0x0], $0x1;
	_ =	sdelay $0x4  }
0x197: {  	(v2sf) =	vpush @!p1 v1, $0x0;
	_ =	sdelay $0xe  }
.Ltmp24:
0x198: {  	s3 =	spop @!p1 (v2sf);
	(pc) =	sbr.rel @p2 .LBB2_29-.Ltmp24, $4  }
0x199: {  	p3 =	seq.s32 @!p1 s12, s3  }
0x19a: {  	p3 =	por !p3, p1  }
0x19b: {  	s14 =	simm.s32 @p3 $0xFFFFFFFF  }
0x19c: {  	s14 =	smov.u32 @p1 s2  }
.LBB2_30:
0x19d: {  	p1 =	seq.s32 s14, $0xFFFFFFFF  }
.Ltmp25:
0x19e: {  	_ = 	snop;
	(pc) =	sbr.rel @p1 .LBB2_32-.Ltmp25, $1  }
0x19f: {  	_ =	sdelay $0x3  }
0x1a0: {  	s0 =	sshll.u32 s11, $0x7  }
0x1a1: {  	s0 =	sand.u32 $0x3FFFFF80, s0  }
0x1a2: {  	v0 =	vld [tilespmem:s0+$0xF238];
	_ =	sdelay $0x2  }
0x1a3: {  	s2 =	sshll.u32 s14, $0x9  }
0x1a4: {  	s2 =	sshra.s32 s2, $0x2  }
0x1a5: {  	[tilespmem:s2+$0xF238] =	vst.add.f32.msk $0xffff, v0  }
0x1a6: {  	v0 =	vld [tilespmem:s0+$0xF248];
	_ =	sdelay $0x4  }
0x1a7: {  	[tilespmem:s2+$0xF248] =	vst.add.f32.msk $0xffff, v0  }
0x1a8: {  	v0 =	vld [tilespmem:s0+$0xF258];
	_ =	sdelay $0x4  }
0x1a9: {  	[tilespmem:s2+$0xF258] =	vst.add.f32.msk $0xffff, v0  }
0x1aa: {  	v0 =	vld [tilespmem:s0+$0xF268];
	_ =	sdelay $0x4  }
0x1ab: {  	[tilespmem:s2+$0xF268] =	vst.add.f32.msk $0xffff, v0  }
0x1ac: {  	v0 =	vld [tilespmem:s0+$0xF278];
	_ =	sdelay $0x4  }
0x1ad: {  	[tilespmem:s2+$0xF278] =	vst.add.f32.msk $0xffff, v0  }
0x1ae: {  	v0 =	vld [tilespmem:s0+$0xF288];
	_ =	sdelay $0x4  }
0x1af: {  	[tilespmem:s2+$0xF288] =	vst.add.f32.msk $0xffff, v0  }
0x1b0: {  	v0 =	vld [tilespmem:s0+$0xF298];
	_ =	sdelay $0x4  }
0x1b1: {  	[tilespmem:s2+$0xF298] =	vst.add.f32.msk $0xffff, v0  }
0x1b2: {  	v0 =	vld [tilespmem:s0+$0xF2A8]  }
.Ltmp26:
0x1b3: {  	_ = 	snop;
	(pc) =	sbr.rel .LBB2_33-.Ltmp26, $2  }
0x1b4: {  	_ =	sdelay $0x2  }
0x1b5: {  	[tilespmem:s2+$0xF2A8] =	vst.add.f32.msk $0xffff, v0  }
.LBB2_34:
0x1b6: {  	s0 =	simm.s32 $0x6;
	p1 =	seq.s32 s6, $0x0  }
0x1b7: {  	[sflag:s0] =	ssyncpa.u1 $0x1;
	v0 =	vimm.s32 @p1 $0xFFFFFFFF  }
0x1b8: {  	s9 =	sadd.s32 $0xFFFFFFFF, s6;
	[tilespmem:$0x10238] =	vst @p1 v0  }
0x1b9: {  	v0 =	vld.msk @!p1 [tilespmem:s9+$0xF218], $0x1;
	_ =	sdelay $0x1  }
0x1ba: {  	v1 =	vld.msk @!p1 [tilespmem:$0xF218], $0x1;
	_ =	sdelay $0x2  }
0x1bb: {  	p2 =	seq.s32 @!p1 s9, $0x0;
	v0 =	vbroadcast @!p1 v0, $0x0  }
0x1bc: {  	vm0 =	vmmov @!p1 $0x1;
	p2 =	por !p2, p1  }
0x1bd: {  	v1 =	vnsel @!p1 vm0, $0xFFFFFFFF, v1;
	vm0 =	vcmask @!p1 $0x308;
	v0 =	vpsel !p2, $0xFFFFFFFF, v0  }
0x1be: {  	p2 =	sne.s32 @!p1 s8, s7;
	v0 =	vsel @!p1 vm0, v1, v0  }
0x1bf: {  	s0 =	simm.s32 @!p1 $0xF238;
	s2 =	simm.s32 @!p1 $0x0;
	p3 =	por !p2, p1;
	[tilespmem:$0x10238] =	vst @!p1 v0  }
0x1c0: {  	[spmem:s2] =	stream.linear.scatter @!p1 [tilespmem:s0], [sflag:$0x1], $0x80, $0x38;
	[tilespmem:$0x1F6F8] =	vst v63  }
0x1c1: {  	s0 =	sshll.u32 @!p3 s9, $0x9  }
0x1c2: {  	s0 =	sshra.s32 @!p3 s0, $0x2  }
0x1c3: {  	s2 =	simm.s32 @!p3 $0x80;
	s0 =	sadd.s32 @!p3 $0xF238, s0  }
0x1c4: {  	[spmem:s2] =	stream.linear.scatter @!p3 [tilespmem:s0], [sflag:$0x1], $0x80, $0x38;
	[tilespmem:$0x1F6F8] =	vst v63  }
0x1c5: {  	s0 =	simm.s32 @!p3 $0x1  }
0x1c6: {  	_ =	swait.ge @!p3 [sflag:s0], $0x100  }
0x1c7: {  	p1 =	por p2, p1;
	[sflag:s0] =	ssyncset.done @!p3 $0x0  }
0x1c8: {  	[sflag:s0] =	ssyncadd.s32 @!p3 $0xFFFFFF00;
	s0 =	simm.s32 @!p1 $0x1  }
0x1c9: {  	_ =	swait.ge @!p1 [sflag:s0], $0x80  }
0x1ca: {  	s29 =	simm.s32 $0x10238;
	[sflag:s0] =	ssyncset.done @!p1 $0x0  }
0x1cb: {  	s30 =	simm.s32 $0x1000;
	s31 =	simm.s32 $0x1;
	[sflag:s0] =	ssyncadd.s32 @!p1 $0xFFFFFF80  }
0x1cc: {  	[spmem:s30] =	stream.linear.scatter [tilespmem:s29], [sflag:$0x1], $0x10, $0x38;
	[tilespmem:$0x1F6F8] =	vst v63  }
0x1cd: {  	_ =	swait.ge [sflag:s31], $0x10  }
0x1ce: {  	[sflag:s31] =	ssyncset.done $0x0  }
0x1cf: {  	p1 =	seq.s32 s15, $0x0;
	s8 =	rddreg [dreg:$0x2];
	[sflag:s31] =	ssyncadd.s32 $0xFFFFFFF0  }
0x1d0: {  	s2 =	sshll.u32 @p1 s8, $0xE;
	s7 =	rddreg [dreg:$0x3]  }
0x1d1: {  	s0 =	sadd.s32 @p1 $0x15C3C, s2;
	s2 =	sshll.u32 @p1 s7, $0x11  }
0x1d2: {  	_ =	sfence.stream.spmem;
	s0 =	sor.u32 @p1 s2, s0  }
0x1d3: {  	[sflag:s0] =	ssyncadd.remote.s32 @p1 $0x1;
	s0 =	simm.s32 @p1 $0x4  }
0x1d4: {  	s3 =	simm.s32 @!p1 $0x3C;
	s2 =	sand.u32 $0xFFFFFFFE, s8;
	_ =	swait.ge @p1 [sflag:s0], $0x22  }
0x1d5: {  	s4 =	simm.s32 @!p1 $0x0;
	s2 =	sadd.s32 @!p1 $0x4, s2;
	[sflag:s0] =	ssyncset.done @p1 $0x0  }
0x1d6: {  	s5 =	simm.s32 @!p1 $0x100;
	[sflag:s0] =	ssyncadd.s32 @p1 $0xFFFFFFDE;
	s0 =	sshll.u32 @!p1 s2, $0x1A  }
0x1d7: {  	s2 =	sshll.u32 @!p1 s2, $0xD;
	s0 =	sor.u32 @!p1 s0, s7;
	_ =	swait.eq @!p1 [sflag:s3], $0x1  }
0x1d8: {  	s2 =	sor.u32 @!p1 $0x1C04, s2;
	s3 =	simm.s32 @!p1 $0x1C03;
	s0 =	sor.u32 @!p1 $0x80004000, s0  }
0x1d9: {  	[spmem:s5], [sflag:s2] =	dma.general @!p1 [spmem:s4], [sflag:s3], length:$0x20, [dreg:$0x0], stride_count:$0x0, ici_dest:s0, dma_misc:DstOpCode:WRITE  }
0x1da: {  	p2 =	slt.s32 s9, $0x2;
	s4 =	simm.s32 @!p1 $0x200;
	s5 =	simm.s32 @!p1 $0x202  }
0x1db: {  	[spmem:s5], [sflag:s2] =	dma.general @!p1 [spmem:s4], [sflag:s3], length:$0x2, [dreg:$0x0], stride_count:$0x0, ici_dest:s0, dma_misc:DstOpCode:WRITE  }
.Ltmp27:
0x1dc: {  	s0 =	simm.s32 @!p1 $0x3;
	(pc) =	sbr.rel @p2 .LBB2_38-.Ltmp27, $4  }
0x1dd: {  	s2 =	sshll.u32 @!p1 s8, $0xE;
	_ =	swait.ge @!p1 [sflag:s0], $0x22  }
0x1de: {  	s3 =	sshll.u32 @!p1 s7, $0x11;
	s2 =	sadd.s32 @!p1 $0x11C3C, s2;
	[sflag:s0] =	ssyncset.done @!p1 $0x0  }
0x1df: {  	[sflag:s0] =	ssyncadd.s32 @!p1 $0xFFFFFFDE;
	s0 =	sor.u32 @!p1 s3, s2  }
0x1e0: {  	[sflag:s0] =	ssyncadd.remote.s32 @!p1 $0xFFFFFFFF;
	s0 =	simm.s32 $0x0  }
0x1e1: {  	s0 =	simm.s32 $0xF219  }
0x1e2: {  	v0 =	vld.msk [tilespmem:s0+$0x0], $0x1;
	_ =	sdelay $0x4  }
0x1e3: {  	(v2sf) =	vpush v0, $0x0;
	_ =	sdelay $0xb  }
0x1e4: {  	s31 =	sadd.s32 $0xFFFFFFFE, s6  }
0x1e5: {  	s0 =	sadd.s32 $0xFFFFFFFF, s31  }
0x1e6: {  	p2 =	sne.s32 s0, $0x0  }
.Ltmp28:
0x1e7: {  	s2 =	spop (v2sf);
	(pc) =	sbr.rel @!p2 .LBB2_37-.Ltmp28, $4  }
0x1e8: {  	s4 =	simm.s32 $0xF2B8;
	s7 =	simm.s32 $0x0;
	p1 =	sgt.u32 s2, $0xFFF0  }
0x1e9: {  	s5 =	simm.s32 $0x0;
	s6 =	simm.s32 $0xF21A;
	s3 =	sand.u32 @!p1 $0xFFF8, s2  }
0x1ea: {  	s2 =	sand.u32 @!p1 $0x7, s2;
	s7 =	simm.s32 @!p1 $0x200;
	s3 =	sadd.s32 @!p1 s1, s3  }
0x1eb: {  	[hbm4b:s3+s2] =	stream.linear.scatter @!p1 [tilespmem:s4], [sflag:$0x5], $0x80, $0x38;
	[tilespmem:$0x1F6F8] =	vst v63  }
.LBB2_36:
0x1ec: {  	v0 =	vld.msk [tilespmem:s6+$0x0], $0x1;
	s0 =	sadd.s32 $0xFFFFFFFF, s0;
	s5 =	sadd.s32 s5, s7  }
0x1ed: {  	p1 =	sne.s32 s0, $0x0;
	_ =	sdelay $0x3  }
0x1ee: {  	(v2sf) =	vpush v0, $0x0;
	_ =	sdelay $0xe  }
.Ltmp29:
0x1ef: {  	s2 =	spop (v2sf);
	(pc) =	sbr.rel @p1 .LBB2_36-.Ltmp29, $4  }
0x1f0: {  	s7 =	simm.s32 $0x0;
	p2 =	sgt.u32 s2, $0xFFF0  }
0x1f1: {  	s4 =	sadd.s32 $0x80, s4;
	s7 =	simm.s32 @!p2 $0x200;
	s3 =	sand.u32 @!p2 $0xFFF8, s2  }
0x1f2: {  	s6 =	sadd.s32 $0x1, s6;
	s2 =	sand.u32 @!p2 $0x7, s2;
	s3 =	sadd.s32 @!p2 s1, s3  }
0x1f3: {  	[hbm4b:s3+s2] =	stream.linear.scatter @!p2 [tilespmem:s4], [sflag:$0x5], $0x80, $0x38;
	[tilespmem:$0x1F6F8] =	vst v63  }
.LBB2_37:
0x1f4: {  	s0 =	sadd.s32 s5, s7  }
0x1f5: {  	s0 =	sshrl.u32 s0, $0x2  }
.LBB2_38:
0x1f6: {  	s2 =	simm.s32 $0x5  }
0x1f7: {  	_ =	swait.ge [sflag:s2], s0  }
0x1f8: {  	s31 =	ssub.s32 $0x0, s0;
	[sflag:s2] =	ssyncset.done $0x0  }
0x1f9: {  	[sflag:s2] =	ssyncadd.s32 s31  }
0x1fa: {  	[sflag:s2] =	ssyncpa.u1 $0x1  }
.LBB2_39:
0x1fb: {  	s0 =	sor.u32 s15, s16  }
0x1fc: {  	p1 =	sne.s32 s0, $0x0  }
.Ltmp30:
0x1fd: {  	_ = 	snop;
	(pc) =	sbr.rel @p1 .LBB2_54-.Ltmp30, $3  }
0x1fe: {  	_ =	sdelay $0x1  }
0x1ff: {  	[bflag:$0x0] =	sbarrier.arrive $0xFFFF  }
0x200: {  	_ =	sfence  }
0x201: {  	s0 =	simm.s32 $0x7  }
0x202: {  	s2 =	simm.s32 $0x1000;
	s3 =	simm.s32 $0xF218;
	[sflag:s0] =	ssyncpa.u1 $0x0  }
0x203: {  	[tilespmem:s3], [sflag:$0x7] =	stream.linear.gather [spmem:s2], $0x20, $0x38;
	[tilespmem:$0x1F6F8] =	vst v63  }
0x204: {  	s30 =	simm.s32 $0xF238;
	s2 =	simm.s32 $0x0  }
0x205: {  	[tilespmem:s30], [sflag:$0x7] =	stream.linear.gather [spmem:s2], $0x1000, $0x38;
	[tilespmem:$0x1F6F8] =	vst v63  }
.Ltmp31:
0x206: {  	_ = 	snop;
	(pc) =	sbr.rel .LBB2_41-.Ltmp31, $4  }
0x207: {  	_ =	swait.ge [sflag:s0], $0x1020  }
0x208: {  	[sflag:s0] =	ssyncset.done $0x0  }
0x209: {  	s31 =	simm.s32 $0x8;
	[sflag:s0] =	ssyncadd.s32 $0xFFFFEFE0  }
0x20a: {  	s3 =	simm.s32 $0x0;
	[sflag:s31] =	ssyncpa.u1 $0x0  }
.LBB2_47:
0x20b: {  	p1 =	slt.u32 s4, $0xFFF1  }
0x20c: {  	s0 =	sand.u32 @p1 $0xFFF8, s4  }
0x20d: {  	s4 =	sand.u32 @p1 $0x7, s4;
	s5 =	simm.s32 @p1 $0xF188;
	s0 =	sadd.s32 @p1 s1, s0  }
0x20e: {  	[tilespmem:s5], [sflag:$0x8] =	stream.linear.gather @p1 [hbm4b:s0+s4], $0x80, $0x38;
	[tilespmem:$0x1F6F8] =	vst v63  }
0x20f: {  	s0 =	simm.s32 @p1 $0x8  }
0x210: {  	_ =	swait.ge @p1 [sflag:s0], $0x80  }
0x211: {  	[sflag:s0] =	ssyncset.done @p1 $0x0  }
0x212: {  	[sflag:s0] =	ssyncadd.s32 @p1 $0xFFFFFF80  }
0x213: {  	v1 =	vld @p1 [tilespmem:$0xF188];
	_ =	sdelay $0x2  }
0x214: {  	s0 =	sshll.u32 @p1 s3, $0x9  }
0x215: {  	s4 =	sshrl.u32 @p1 s0, $0x2  }
0x216: {  	[tilespmem:s4+$0xF238] =	vst.add.f32.msk @p1 $0xffff, v1  }
0x217: {  	v1 =	vld @p1 [tilespmem:$0xF198];
	_ =	sdelay $0x4  }
0x218: {  	[tilespmem:s4+$0xF248] =	vst.add.f32.msk @p1 $0xffff, v1  }
0x219: {  	v1 =	vld @p1 [tilespmem:$0xF1A8];
	_ =	sdelay $0x4  }
0x21a: {  	[tilespmem:s4+$0xF258] =	vst.add.f32.msk @p1 $0xffff, v1  }
0x21b: {  	v1 =	vld @p1 [tilespmem:$0xF1B8];
	_ =	sdelay $0x4  }
0x21c: {  	[tilespmem:s4+$0xF268] =	vst.add.f32.msk @p1 $0xffff, v1  }
0x21d: {  	v1 =	vld @p1 [tilespmem:$0xF1C8];
	_ =	sdelay $0x4  }
0x21e: {  	[tilespmem:s4+$0xF278] =	vst.add.f32.msk @p1 $0xffff, v1  }
0x21f: {  	v1 =	vld @p1 [tilespmem:$0xF1D8];
	_ =	sdelay $0x4  }
0x220: {  	[tilespmem:s4+$0xF288] =	vst.add.f32.msk @p1 $0xffff, v1  }
0x221: {  	v1 =	vld @p1 [tilespmem:$0xF1E8];
	_ =	sdelay $0x4  }
0x222: {  	[tilespmem:s4+$0xF298] =	vst.add.f32.msk @p1 $0xffff, v1  }
0x223: {  	v1 =	vld @p1 [tilespmem:$0xF1F8];
	_ =	sdelay $0x3  }
0x224: {  	s5 =	sshll.u32 @!p1 s3, $0x9  }
0x225: {  	s5 =	smov.u32 @p1 s0;
	[tilespmem:s4+$0xF2A8] =	vst.add.f32.msk @p1 $0xffff, v1  }
0x226: {  	s0 =	sshrl.u32 s5, $0x2;
	[tilespmem:s2+$0xF218] =	vst.msk $0x1, v0  }
0x227: {  	v0 =	vld [tilespmem:s0+$0xF238];
	_ =	sdelay $0x2  }
0x228: {  	s31 =	sshll.u32 s2, $0x9  }
0x229: {  	s4 =	sshra.s32 s31, $0x2  }
0x22a: {  	[tilespmem:s4+$0xF238] =	vst v0  }
0x22b: {  	v0 =	vld [tilespmem:s0+$0xF248];
	_ =	sdelay $0x4  }
0x22c: {  	[tilespmem:s4+$0xF248] =	vst v0  }
0x22d: {  	v0 =	vld [tilespmem:s0+$0xF258];
	_ =	sdelay $0x4  }
0x22e: {  	[tilespmem:s4+$0xF258] =	vst v0  }
0x22f: {  	v0 =	vld [tilespmem:s0+$0xF268];
	_ =	sdelay $0x4  }
0x230: {  	[tilespmem:s4+$0xF268] =	vst v0  }
0x231: {  	v0 =	vld [tilespmem:s0+$0xF278];
	_ =	sdelay $0x4  }
0x232: {  	[tilespmem:s4+$0xF278] =	vst v0  }
0x233: {  	v0 =	vld [tilespmem:s0+$0xF288];
	_ =	sdelay $0x4  }
0x234: {  	[tilespmem:s4+$0xF288] =	vst v0  }
0x235: {  	v0 =	vld [tilespmem:s0+$0xF298];
	_ =	sdelay $0x4  }
0x236: {  	[tilespmem:s4+$0xF298] =	vst v0  }
0x237: {  	v0 =	vld [tilespmem:s0+$0xF2A8];
	_ =	sdelay $0x4  }
0x238: {  	s2 =	sadd.s32 $0x1, s2;
	[tilespmem:s4+$0xF2A8] =	vst v0  }
.LBB2_48:
0x239: {  	s3 =	sadd.s32 $0x1, s3  }
0x23a: {  	p1 =	sne.s32 s3, $0x20  }
.Ltmp32:
0x23b: {  	_ = 	snop;
	(pc) =	sbr.rel @!p1 .LBB2_49-.Ltmp32, $1  }
0x23c: {  	_ =	sdelay $0x3  }
.LBB2_41:
0x23d: {  	v0 =	vld.msk [tilespmem:s3+$0xF218], $0x1;
	_ =	sdelay $0x4  }
0x23e: {  	(v2sf) =	vpush v0, $0x0;
	_ =	sdelay $0xe  }
0x23f: {  	s4 =	spop (v2sf)  }
0x240: {  	p1 =	seq.s32 s4, $0xFFFFFFFF  }
.Ltmp33:
0x241: {  	_ = 	snop;
	(pc) =	sbr.rel @p1 .LBB2_48-.Ltmp33, $1  }
0x242: {  	_ =	sdelay $0x3  }
0x243: {  	p1 =	slt.s32 s2, $0x1  }
.Ltmp34:
0x244: {  	_ = 	snop;
	(pc) =	sbr.rel @p1 .LBB2_47-.Ltmp34, $1  }
0x245: {  	_ =	sdelay $0x3  }
0x246: {  	s5 =	simm.s32 $0xF218;
	p1 =	por $0x0, $0x0  }
0x247: {  	v1 =	vld.msk @!p1 [tilespmem:s5+$0x0], $0x1;
	_ =	sdelay $0x4  }
0x248: {  	(v2sf) =	vpush @!p1 v1, $0x0;
	_ =	sdelay $0xd  }
0x249: {  	p3 =	sne.s32 s2, $0x1  }
.Ltmp35:
0x24a: {  	s0 =	spop @!p1 (v2sf);
	(pc) =	sbr.rel @!p3 .LBB2_45-.Ltmp35, $4  }
0x24b: {  	p2 =	seq.s32 @!p1 s4, s0  }
0x24c: {  	s6 =	simm.s32 $0x0;
	p2 =	por !p2, p1  }
0x24d: {  	s7 =	simm.s32 $0xFFFFFFFF;
	s6 =	simm.s32 @p2 $0xFFFFFFFF  }
0x24e: {  	s0 =	simm.s32 $0x1;
	s6 =	smov.u32 @p1 s7  }
.LBB2_44:
0x24f: {  	s7 =	smov.u32 s6;
	p1 =	sne.s32 s6, $0xFFFFFFFF  }
0x250: {  	s5 =	sadd.s32 $0x1, s5;
	s6 =	smov.u32 s0;
	s0 =	sadd.s32 $0x1, s0  }
0x251: {  	p2 =	sne.s32 s2, s0;
	v1 =	vld.msk @!p1 [tilespmem:s5+$0x0], $0x1;
	_ =	sdelay $0x4  }
0x252: {  	(v2sf) =	vpush @!p1 v1, $0x0;
	_ =	sdelay $0xe  }
.Ltmp36:
0x253: {  	s8 =	spop @!p1 (v2sf);
	(pc) =	sbr.rel @p2 .LBB2_44-.Ltmp36, $4  }
0x254: {  	p3 =	seq.s32 @!p1 s4, s8  }
0x255: {  	p3 =	por !p3, p1  }
0x256: {  	s6 =	simm.s32 @p3 $0xFFFFFFFF  }
0x257: {  	s6 =	smov.u32 @p1 s7  }
.LBB2_45:
0x258: {  	p1 =	seq.s32 s6, $0xFFFFFFFF  }
.Ltmp37:
0x259: {  	_ = 	snop;
	(pc) =	sbr.rel @p1 .LBB2_47-.Ltmp37, $1  }
0x25a: {  	_ =	sdelay $0x3  }
0x25b: {  	s0 =	sshll.u32 s3, $0x7  }
0x25c: {  	s0 =	sand.u32 $0x3FFFFF80, s0  }
0x25d: {  	v0 =	vld [tilespmem:s0+$0xF238];
	_ =	sdelay $0x2  }
0x25e: {  	s4 =	sshll.u32 s6, $0x9  }
0x25f: {  	s4 =	sshra.s32 s4, $0x2  }
0x260: {  	[tilespmem:s4+$0xF238] =	vst.add.f32.msk $0xffff, v0  }
0x261: {  	v0 =	vld [tilespmem:s0+$0xF248];
	_ =	sdelay $0x4  }
0x262: {  	[tilespmem:s4+$0xF248] =	vst.add.f32.msk $0xffff, v0  }
0x263: {  	v0 =	vld [tilespmem:s0+$0xF258];
	_ =	sdelay $0x4  }
0x264: {  	[tilespmem:s4+$0xF258] =	vst.add.f32.msk $0xffff, v0  }
0x265: {  	v0 =	vld [tilespmem:s0+$0xF268];
	_ =	sdelay $0x4  }
0x266: {  	[tilespmem:s4+$0xF268] =	vst.add.f32.msk $0xffff, v0  }
0x267: {  	v0 =	vld [tilespmem:s0+$0xF278];
	_ =	sdelay $0x4  }
0x268: {  	[tilespmem:s4+$0xF278] =	vst.add.f32.msk $0xffff, v0  }
0x269: {  	v0 =	vld [tilespmem:s0+$0xF288];
	_ =	sdelay $0x4  }
0x26a: {  	[tilespmem:s4+$0xF288] =	vst.add.f32.msk $0xffff, v0  }
0x26b: {  	v0 =	vld [tilespmem:s0+$0xF298];
	_ =	sdelay $0x4  }
0x26c: {  	[tilespmem:s4+$0xF298] =	vst.add.f32.msk $0xffff, v0  }
0x26d: {  	v0 =	vld [tilespmem:s0+$0xF2A8]  }
.Ltmp38:
0x26e: {  	_ = 	snop;
	(pc) =	sbr.rel .LBB2_48-.Ltmp38, $2  }
0x26f: {  	_ =	sdelay $0x2  }
0x270: {  	[tilespmem:s4+$0xF2A8] =	vst.add.f32.msk $0xffff, v0  }
.LBB2_49:
0x271: {  	p1 =	slt.s32 s2, $0x1  }
.Ltmp39:
0x272: {  	_ = 	snop;
	(pc) =	sbr.rel @p1 .LBB2_53-.Ltmp39, $3  }
0x273: {  	_ =	sdelay $0x1  }
0x274: {  	s0 =	simm.s32 $0x8  }
0x275: {  	s3 =	simm.s32 $0x0;
	[sflag:s0] =	ssyncpa.u1 $0x1  }
0x276: {  	s0 =	simm.s32 $0xF218  }
0x277: {  	v0 =	vld.msk [tilespmem:s0+$0x0], $0x1;
	_ =	sdelay $0x4  }
0x278: {  	(v2sf) =	vpush v0, $0x0;
	_ =	sdelay $0xe  }
0x279: {  	s0 =	sadd.s32 $0xFFFFFFFF, s2;
	s5 =	spop (v2sf)  }
0x27a: {  	p2 =	sne.s32 s0, $0x0;
	p1 =	sgt.u32 s5, $0xFFF0  }
.Ltmp40:
0x27b: {  	s6 =	sand.u32 @!p1 $0xFFF8, s5;
	(pc) =	sbr.rel @!p2 .LBB2_52-.Ltmp40, $4  }
0x27c: {  	s4 =	simm.s32 $0xF238;
	s5 =	sand.u32 @!p1 $0x7, s5;
	s2 =	sadd.s32 @!p1 s1, s6  }
0x27d: {  	[hbm4b:s2+s5] =	stream.linear.scatter @!p1 [tilespmem:s4], [sflag:$0x7], $0x80, $0x38;
	[tilespmem:$0x1F6F8] =	vst v63  }
0x27e: {  	s5 =	simm.s32 $0x0  }
0x27f: {  	s2 =	simm.s32 $0xF219;
	s5 =	simm.s32 @!p1 $0x200  }
.LBB2_51:
0x280: {  	v0 =	vld.msk [tilespmem:s2+$0x0], $0x1;
	s0 =	sadd.s32 $0xFFFFFFFF, s0;
	s3 =	sadd.s32 s3, s5  }
0x281: {  	p1 =	sne.s32 s0, $0x0;
	_ =	sdelay $0x3  }
0x282: {  	(v2sf) =	vpush v0, $0x0;
	_ =	sdelay $0xe  }
.Ltmp41:
0x283: {  	s6 =	spop (v2sf);
	(pc) =	sbr.rel @p1 .LBB2_51-.Ltmp41, $4  }
0x284: {  	s5 =	simm.s32 $0x0;
	p2 =	sgt.u32 s6, $0xFFF0  }
0x285: {  	s4 =	sadd.s32 $0x80, s4;
	s5 =	simm.s32 @!p2 $0x200;
	s7 =	sand.u32 @!p2 $0xFFF8, s6  }
0x286: {  	s2 =	sadd.s32 $0x1, s2;
	s6 =	sand.u32 @!p2 $0x7, s6;
	s7 =	sadd.s32 @!p2 s1, s7  }
0x287: {  	[hbm4b:s7+s6] =	stream.linear.scatter @!p2 [tilespmem:s4], [sflag:$0x7], $0x80, $0x38;
	[tilespmem:$0x1F6F8] =	vst v63  }
.LBB2_52:
0x288: {  	s0 =	sadd.s32 s3, s5  }
0x289: {  	s3 =	sshrl.u32 s0, $0x2  }
.LBB2_53:
0x28a: {  	s0 =	simm.s32 $0x7  }
0x28b: {  	_ =	swait.ge [sflag:s0], s3  }
0x28c: {  	s1 =	ssub.s32 $0x0, s3;
	[sflag:s0] =	ssyncset.done $0x0  }
0x28d: {  	[sflag:s0] =	ssyncadd.s32 s1  }
0x28e: {  	[sflag:s0] =	ssyncpa.u1 $0x1  }
.LBB2_54:
0x28f: {  	_ =	sfence;
	s0 =	simm.s32 $0x1  }
0x290: {  	[sflag:s0] =	ssyncpa.u1 $0x1  }
0x291: {  	_ =	strace $0x9000004D  }
0x292: {  	[bflag:$0x2] =	sbarrier.arrive $0xFFFF  }
0x293: {  	s0 =	rddreg [dreg:$0x4]  }
0x294: {  	s0 =	sadd.s32 @!p0 $0x100000, s0  }
0x295: {  	[sflag:s0] =	ssyncadd.tile.s32 @!p0 $0x1;
	_ =	shalt  }
.Lfunc_end2:
_tile_overlayer_lowered:
.L_overlay_start_2:
0x296: {  	(tag) =	ssettag $0x2  }
0x297: {  	s0 =	rddreg [dreg:$0x0];
	s2 =	stileid.u32  }
0x298: {  	s1 =	rddreg [dreg:$0x1];
	p0 =	sne.s32 s2, $0x0  }
0x299: {  	s3 =	rddreg [dreg:$0x2];
	[bflag:$0x3] =	sbarrier.arrive $0xFFFF;
	s2 =	simm.s32 @!p0 $0x1C01  }
0x29a: {  	[timem:s3], [sflag:s2] =	dma.local @!p0 [hbm:s0], s1  }
0x29b: {  	s0 =	simm.s32 @!p0 $0x1  }
0x29c: {  	_ =	swait.ge @!p0 [sflag:s0], s1  }
0x29d: {  	s1 =	ssub.s32 @!p0 $0x0, s1;
	[sflag:s0] =	ssyncset.done @!p0 $0x0  }
0x29e: {  	[sflag:s0] =	ssyncadd.s32 @!p0 s1  }
0x29f: {  	[bflag:$0x3] =	sbarrier.arrive $0xFFFF  }
0x2a0: {  	_ =	shalt  }

// kernel: scatter_offload_async_start.2
scs
__scs_entry_jumppad:
0x0: {  	(pc) =	sbr.rel $0x88, $3  }
0x1: {  	(tag) =	ssettag $0x0;
	lr =	simm.s32 $0x1  }
0x2: {  	[smem:$0x3F91] =	sst lr;
	_ =	strace $0xD0000000  }
0x3: {  	_ = 	snop  }
0x4: {  	_ = 	snop  }
0x5: {  	_ = 	snop  }
0x6: {  	_ = 	snop  }
0x7: {  	_ = 	snop  }
__scs_overlays_trampoline_lowered:
0x8: {  	[smem:$0x3FA0] =	sst s0  }
0x9: {  	[smem:$0x3FA1] =	sst s1  }
0xa: {  	[smem:$0x3FA2] =	sst s2  }
0xb: {  	[smem:$0x3FA3] =	sst s3  }
0xc: {  	[smem:$0x3FA4] =	sst s4  }
0xd: {  	[smem:$0x3FA5] =	sst s5  }
0xe: {  	[smem:$0x3FA6] =	sst s6  }
0xf: {  	[smem:$0x3FA7] =	sst s7  }
0x10: {  	[smem:$0x3FA8] =	sst s8  }
0x11: {  	[smem:$0x3FA9] =	sst s9;
	s0 =	simm.s32 @!p0 $0x0  }
0x12: {  	s1 =	sld [smem:$0x3F8F];
	s0 =	simm.s32 @p0 $0x1  }
0x13: {  	[smem:$0x3FAA] =	sst s0;
	s0 =	simm.s32 @!p1 $0x0  }
0x14: {  	s2 =	sld [smem:$0x3F8E];
	s0 =	simm.s32 @p1 $0x1  }
0x15: {  	[smem:$0x3FAB] =	sst s0;
	s0 =	simm.s32 @!p2 $0x0  }
0x16: {  	s3 =	sld [smem:$0x3FDB];
	s0 =	simm.s32 @p2 $0x1  }
0x17: {  	s4 =	simm.s32 $0x1BF5;
	[smem:$0x3FAD] =	sst s0  }
0x18: {  	s0 =	sld [smem:$0x3F90];
	_ =	swait.ge [sflag:s4], $0x0  }
0x19: {  	s7 =	sld [smem:$0x3F91]  }
0x1a: {  	s8 =	sadd.s32 $0xFFFFE003, lr  }
0x1b: {  	s9 =	sadd.s32 $0xFFFFFEF7, lr;
	s5 =	simm.s32 $0xFFFFFFFF;
	p2 =	slt.u32 s8, $0xFFFFF086  }
0x1c: {  	p1 =	slt.u32 s9, $0xF7A;
	s5 =	simm.s32 @!p2 $0x0  }
0x1d: {  	s5 =	simm.s32 @p1 $0x1;
	p0 =	seq.s32 s7, s2  }
0x1e: {  	s7 =	smul.u32 @!p0 $0xF7A, s2;
	p2 =	seq.s32 @!p0 s5, $0x0  }
0x1f: {  	s9 =	smul.u32 $0xF7A, s1;
	s8 =	simm.s32 @!p0 $0x1BF5;
	p2 =	por !p2, p0  }
0x20: {  	[sflag:s8] =	ssyncset.s32 @!p0 $0xFFFFF086;
	s6 =	sadd.s32 @!p0 s3, s7;
	s7 =	simm.s32 @!p0 $0x108  }
0x21: {  	s3 =	sadd.s32 s3, s9;
	s6 =	sadd.s32 @!p0 $0x88, s6;
	s7 =	simm.s32 @p2 $0x1082  }
0x22: {  	[simem:s7], [sflag:s8] =	dma.local @!p0 [hbm:s6], $0xF7A  }
0x23: {  	s9 =	sor.u32 $0xD0000000, s2;
	s6 =	simm.s32 $0x108;
	_ =	swait.ge @!p0 [sflag:s8], $0x0  }
0x24: {  	s3 =	sadd.s32 $0x88, s3;
	s6 =	simm.s32 @!p1 $0x1082;
	[sflag:s4] =	ssyncset.s32 $0xFFFFF086  }
0x25: {  	[simem:s6], [sflag:s4] =	dma.local [hbm:s3], $0xF7A  }
0x26: {  	[smem:$0x3F91] =	sst s1;
	(tag) =	ssettag s2;
	_ =	strace s9  }
0x27: {  	s1 =	sld [smem:$0x3FA1]  }
0x28: {  	s2 =	sld [smem:$0x3FA2]  }
0x29: {  	s4 =	sld [smem:$0x3FA4]  }
0x2a: {  	p0 =	seq.s32 s5, $0x0;
	s5 =	sld [smem:$0x3FA5]  }
0x2b: {  	s6 =	sld [smem:$0x3FA6]  }
0x2c: {  	s7 =	sld [smem:$0x3FA7]  }
0x2d: {  	s3 =	simm.s32 $0x108;
	s8 =	sld [smem:$0x3FA8]  }
0x2e: {  	s3 =	simm.s32 @!p0 $0x1082;
	s9 =	sld [smem:$0x3FA9]  }
0x2f: {  	lr =	sadd.s32 s0, s3;
	s0 =	sld [smem:$0x3FA0]  }
0x30: {  	s3 =	sld [smem:$0x3FA3]  }
0x31: {  	[smem:$0x3FAC] =	sst s10  }
0x32: {  	s10 =	sld [smem:$0x3FAA];
	_ =	sdelay $0x3  }
0x33: {  	p0 =	seq.s32 s10, $0x1;
	s10 =	sld [smem:$0x3FAC];
	_ =	sdelay $0x3  }
0x34: {  	[smem:$0x3FAC] =	sst s10  }
0x35: {  	s10 =	sld [smem:$0x3FAB];
	_ =	sdelay $0x3  }
0x36: {  	p1 =	seq.s32 s10, $0x1;
	s10 =	sld [smem:$0x3FAC];
	_ =	sdelay $0x3  }
0x37: {  	[smem:$0x3FAC] =	sst s10  }
0x38: {  	s10 =	sld [smem:$0x3FAD]  }
0x39: {  	_ = 	snop;
	(pc) =	sbr.ind lr, $3  }
0x3a: {  	_ = 	snop  }
0x3b: {  	_ = 	snop  }
0x3c: {  	p2 =	seq.s32 s10, $0x1;
	s10 =	sld [smem:$0x3FAC]  }
0x3d: {  	_ =	shalt  }
0x3e: {  	_ =	shalt  }
0x3f: {  	_ =	shalt  }
0x40: {  	_ =	shalt  }
0x41: {  	_ =	shalt  }
0x42: {  	_ =	shalt  }
0x43: {  	_ =	shalt  }
0x44: {  	_ =	shalt  }
0x45: {  	_ =	shalt  }
0x46: {  	_ =	shalt  }
0x47: {  	_ =	shalt  }
0x48: {  	_ =	shalt  }
0x49: {  	_ =	shalt  }
0x4a: {  	_ =	shalt  }
0x4b: {  	_ =	shalt  }
0x4c: {  	_ =	shalt  }
0x4d: {  	_ =	shalt  }
0x4e: {  	_ =	shalt  }
0x4f: {  	_ =	shalt  }
0x50: {  	_ =	shalt  }
0x51: {  	_ =	shalt  }
0x52: {  	_ =	shalt  }
0x53: {  	_ =	shalt  }
0x54: {  	_ =	shalt  }
0x55: {  	_ =	shalt  }
0x56: {  	_ =	shalt  }
0x57: {  	_ =	shalt  }
0x58: {  	_ =	shalt  }
0x59: {  	_ =	shalt  }
0x5a: {  	_ =	shalt  }
0x5b: {  	_ =	shalt  }
0x5c: {  	_ =	shalt  }
0x5d: {  	_ =	shalt  }
0x5e: {  	_ =	shalt  }
0x5f: {  	_ =	shalt  }
0x60: {  	_ =	shalt  }
0x61: {  	_ =	shalt  }
0x62: {  	_ =	shalt  }
0x63: {  	_ =	shalt  }
0x64: {  	_ =	shalt  }
0x65: {  	_ =	shalt  }
0x66: {  	_ =	shalt  }
0x67: {  	_ =	shalt  }
0x68: {  	_ =	shalt  }
0x69: {  	_ =	shalt  }
0x6a: {  	_ =	shalt  }
0x6b: {  	_ =	shalt  }
0x6c: {  	_ =	shalt  }
0x6d: {  	_ =	shalt  }
0x6e: {  	_ =	shalt  }
0x6f: {  	_ =	shalt  }
0x70: {  	_ =	shalt  }
0x71: {  	_ =	shalt  }
0x72: {  	_ =	shalt  }
0x73: {  	_ =	shalt  }
0x74: {  	_ =	shalt  }
0x75: {  	_ =	shalt  }
0x76: {  	_ =	shalt  }
0x77: {  	_ =	shalt  }
0x78: {  	_ =	shalt  }
0x79: {  	_ =	shalt  }
0x7a: {  	_ =	shalt  }
0x7b: {  	_ =	shalt  }
0x7c: {  	_ =	shalt  }
0x7d: {  	_ =	shalt  }
0x7e: {  	_ =	shalt  }
0x7f: {  	_ =	shalt  }
0x80: {  	_ =	shalt  }
0x81: {  	_ =	shalt  }
0x82: {  	_ =	shalt  }
0x83: {  	_ =	shalt  }
0x84: {  	_ =	shalt  }
0x85: {  	_ =	shalt  }
0x86: {  	_ =	shalt  }
0x87: {  	_ =	shalt  }
.Lfunc_end0:
.L_simem_size_0:
called_computation.2_lowered:
.L_overlay_start_0:
0x88: {  	s0 =	sld [smem:$0x3FD9]  }
0x89: {  	s1 =	sld [smem:$0x3FFE];
	_ =	sdelay $0x3  }
0x8a: {  	s0 =	sadd.s32 s1, s0  }
0x8b: {  	[smem:$0x3FB8] =	sst s0  }
0x8c: {  	_ = 	snop  }
0x8d: {  	s0 =	sld [smem:$0x3FD0];
	_ =	sdelay $0x2  }
0x8e: {  	s13 =	simm.s32 $0xA;
	s2 =	simm.s32 $0x10  }
0x8f: {  	[smem:s2], [sflag:s13] =	dma.local [hbm:s0], $0x1  }
0x90: {  	_ =	swait.eq [sflag:s13], $0x1  }
0x91: {  	[sflag:s13] =	ssyncset.done $0x0  }
0x92: {  	[sflag:s13] =	ssyncadd.s32 $0xFFFFFFFF  }
0x93: {  	s14 =	sld [smem:$0x14];
	(tm) =	ssettm $0x1  }
0x94: {  	s15 =	sld [smem:$0x3FFB];
	_ =	sdelay $0x3  }
0x95: {  	_ =	strace s15  }
0x96: {  	s1 =	sld [smem:$0x3FFC];
	_ =	sdelay $0x3  }
0x97: {  	_ =	strace s1  }
0x98: {  	s1 =	sld [smem:$0x3FFD];
	_ =	sdelay $0x3  }
0x99: {  	_ =	strace s1  }
0x9a: {  	_ =	strace $0x8FFFFFFF  }
0x9b: {  	s16 =	sld [smem:$0x3FDB];
	_ =	sdelay $0x1  }
0x9c: {  	s17 =	simm.s32 $_scs_section_size  }
0x9d: {  	s3 =	simm.s32 $_size__tile_overlayer_lowered;
	s4 =	simm.s32 $_tile_overlayer_lowered  }
0x9e: {  	s20 =	simm.s32 $0x1BFF;
	s19 =	sshll.u32 s4, $0x1;
	s1 =	sadd.s32 s17, s16  }
0x9f: {  	s5 =	simm.s32 $0x0;
	s18 =	sshll.u32 s3, $0x1;
	s3 =	sadd.s32 s19, s1  }
0xa0: {  	[timem:s5], [sflag:s20] =	dma.local [hbm:s3], s18  }
0xa1: {  	_ =	swait.ge [sflag:s20], s18  }
0xa2: {  	s2 =	ssub.s32 $0x0, s18;
	[sflag:s20] =	ssyncset.done $0x0  }
0xa3: {  	[sflag:s20] =	ssyncadd.s32 s2;
	_ =	sdelay $0x1  }
0xa4: {  	s21 =	simm.s32 $0x1B8B  }
0xa5: {  	_ =	swait.ge [sflag:s21], $0x1  }
0xa6: {  	[sflag:s21] =	ssyncset.done $0x0  }
0xa7: {  	s23 =	simm.s32 $0x1B8E;
	s22 =	sld [smem:$0x3FFE];
	[sflag:s21] =	ssyncadd.s32 $0xFFFFFFFF  }
0xa8: {  	s24 =	simm.s32 $execute0_lowered;
	[smem:$0x3FD2] =	sst s23  }
0xa9: {  	s3 =	sshll.u32 s24, $0x1;
	_ =	strace $0x8000004F;
	[dreg:$0x1] =	wrdreg $0xFFFFFFFF  }
0xaa: {  	s25 =	simm.s32 $_size_execute0_lowered;
	s1 =	sadd.s32 s1, s3;
	[dreg:$0x0] =	wrdreg $0x0  }
0xab: {  	s3 =	sshll.u32 s25, $0x1;
	[dreg:$0x2] =	wrdreg s1  }
0xac: {  	[dreg:$0x3] =	wrdreg s3  }
0xad: {  	[dreg:$0x4] =	wrdreg $0xC0  }
0xae: {  	_ =	task [dreg:s5], $0x5FFFF  }
0xaf: {  	[dreg:$0x1] =	wrdreg $0xFFFFFFFF  }
0xb0: {  	[dreg:$0x0] =	wrdreg $0x60  }
0xb1: {  	[dreg:$0x2] =	wrdreg s14  }
0xb2: {  	[dreg:$0x3] =	wrdreg s22  }
0xb3: {  	[dreg:$0x4] =	wrdreg $0x9  }
0xb4: {  	_ =	task.clear_ibuf [dreg:s5], $0x5FFFF;
	_ =	strace $0x9000004F  }
0xb5: {  	s26 =	simm.s32 $0x9;
	_ =	strace $0x80000051  }
0xb6: {  	_ =	swait.ge [sflag:s26], $0x1  }
0xb7: {  	[sflag:s26] =	ssyncadd.s32 $0xFFFFFFFF  }
0xb8: {  	_ =	strace $0x90000051  }
0xb9: {  	_ =	sfence  }
0xba: {  	s28 =	sld [smem:$0x0];
	_ =	sdelay $0x1  }
0xbb: {  	s29 =	srdreg.scid  }
0xbc: {  	s30 =	sshll.u32 s29, $0xD;
	s31 =	sshrl.u32 s29, $0x2  }
0xbd: {  	s2 =	sand.u32 $0x4000, s30;
	s1 =	sand.u32 $0x1, s29;
	s0 =	sadd.s32 s31, s28  }
0xbe: {  	s1 =	sor.u32 s2, s1;
	s0 =	sshll.u32 s0, $0x11  }
0xbf: {  	s0 =	sor.u32 s0, s1  }
0xc0: {  	s0 =	sadd.s32 $0x8F2B, s0  }
0xc1: {  	[sflag:s0] =	ssyncadd.remote.s32 $0x1  }
0xc2: {  	_ =	sfence.sel $0xFFFF  }
0xc3: {  	[dreg:$0x0] =	wrdreg $0xFFFFFFFF;
	(pc) =	sbr.abs _section_cstart, $3  }
0xc4: {  	[dreg:$0x1] =	wrdreg $0xFFFFFFFF  }
0xc5: {  	_ =	task.clear_ibuf [dreg:s5], $0x2FFFF;
	_ =	strace $0x9FFFFFFF  }
0xc6: {  	(tm) =	ssettm $0x7FFFFFFF  }
0xc7: {  	_ =	shalt  }
tec
execute0_lowered:
.L_overlay_start_1:
0x0: {  	(tag) =	ssettag $0x1  }
0x1: {  	s1 =	rddreg [dreg:$0x0]  }
0x2: {  	s0 =	rddreg [dreg:$0x1];
	_ =	strace $0x80000050;
	s3 =	simm.s32 $0x1  }
0x3: {  	v1 =	vimm.s32 $0xFFFFFFFF;
	[sflag:s3] =	ssyncpa.u1 $0x0  }
0x4: {  	[tilespmem:$0x10] =	vst v1  }
0x5: {  	v0 =	vimm.s32 $0x80000000;
	[tilespmem:$0x20] =	vst v1  }
0x6: {  	[tilespmem:$0x30] =	vst v0  }
0x7: {  	s2 =	simm.s32 $0x2;
	[tilespmem:$0x40] =	vst v0  }
0x8: {  	s6 =	simm.s32 $0x7;
	s26 =	stileid.u32;
	s7 =	simm.s32 $0x8;
	[tilespmem:$0x50] =	vst v0  }
0x9: {  	s31 =	simm.s32 $0x9;
	s14 =	simm.s32 $0x0;
	s15 =	simm.s32 $0x100;
	[tilespmem:$0x60] =	vst v1  }
0xa: {  	s19 =	simm.s32 $0x12100;
	s20 =	simm.s32 $0xF;
	s21 =	simm.s32 $0x50;
	[tilespmem:$0x70] =	vst v1  }
0xb: {  	s22 =	simm.s32 $0x80FF;
	s23 =	simm.s32 $0x20;
	s24 =	simm.s32 $0x30;
	[tilespmem:$0x80] =	vst v1  }
0xc: {  	s25 =	simm.s32 $0x100FF;
	s30 =	simm.s32 $0x0;
	s29 =	simm.s32 $0x0;
	v1 =	vimm.s32 $0x0;
	[tilespmem:$0xB0] =	vst v0  }
.Ltmp0:
0xd: {  	s4 =	sadd.s32 $0x400, s0;
	s5 =	sadd.s32 $0x4400, s0;
	[tilespmem:$0x90] =	vst v1;
	(pc) =	sbr.rel .LBB2_1-.Ltmp0, $4  }
0xe: {  	s8 =	sshll.u32 s26, $0xD;
	s10 =	sshll.u32 s26, $0x1;
	[tilespmem:$0xA0] =	vst v1;
	[sflag:s2] =	ssyncpa.u1 $0x0  }
0xf: {  	s12 =	sshllo.u32 s26, $0x1;
	s26 =	simm.s32 $0x80;
	[sflag:s6] =	ssyncpa.u1 $0x0  }
0x10: {  	vm0 =	vmmov $0xffff;
	v2 =	vlaneseq.u32;
	s9 =	sadd.s32 $0x2000, s8;
	s11 =	sor.u32 $0x81, s10;
	[sflag:s7] =	ssyncpa.u1 $0x0  }
0x11: {  	vm1 =	vmxor vm1, vm1;
	vm2 =	vmmov $0x1;
	vm3 =	vcmask $0x3F3C;
	s13 =	sor.u32 $0x80, s10;
	s28 =	smov.u32 s8;
	[sflag:s31] =	ssyncpa.u1 $0x0  }
.LBB2_3:
0x12: {  	s0 =	sshrl.u32 s28, $0x3  }
0x13: {  	s2 =	sand.u32 $0x7, s28;
	s0 =	sadd.s32 s4, s0  }
0x14: {  	[tilespmem:s15], [sflag:$0x7] =	stream.linear.gather [hbm4b:s0+s2], $0x2000, $0x38;
	[tilespmem:$0x12120] =	vst v63  }
.LBB2_4:
0x15: {  	s0 =	sadd.s32 $0x2000, s28  }
0x16: {  	s2 =	smov.u32 s8;
	s29 =	sadd.s32 $0x1, s29;
	p0 =	slt.s32 s0, s9  }
0x17: {  	s2 =	smov.u32 @p0 s0;
	p0 =	sne.s32 s29, $0x4  }
.Ltmp1:
0x18: {  	_ = 	snop;
	(pc) =	sbr.rel @!p0 .LBB2_13-.Ltmp1, $2  }
0x19: {  	_ =	sdelay $0x2  }
0x1a: {  	s30 =	smov.u32 s28;
	s28 =	smov.u32 s2  }
.LBB2_1:
0x1b: {  	p0 =	sgt.s32 s29, $0x1  }
.Ltmp2:
0x1c: {  	_ = 	snop;
	(pc) =	sbr.rel @p0 .LBB2_11-.Ltmp2, $1  }
0x1d: {  	_ =	sdelay $0x3  }
0x1e: {  	p0 =	seq.s32 s29, $0x0  }
.Ltmp3:
0x1f: {  	_ = 	snop;
	(pc) =	sbr.rel @p0 .LBB2_3-.Ltmp3, $1  }
0x20: {  	_ =	sdelay $0x3  }
0x21: {  	_ =	swait.ge [sflag:s6], $0x2000  }
0x22: {  	[sflag:s6] =	ssyncset.done $0x0  }
0x23: {  	[sflag:s6] =	ssyncadd.s32 $0xFFFFE000;
	(ifvalue) =	ssetifvalue $0xFFFFFFFF;
	v3 =	vld.msk [tilespmem:s15+$0x0 ss:$0x1], $0xffff;
	_ =	sdelay $0x4  }
0x24: {  	v4 =	vperm.xlane v3, v1  }
0x25: {  	vm4 =	vlt.u32 v3, $0x18800  }
0x26: {  	v3 =	vnsel vm4, $0xFFFFFFFE, v3;
	vm4 =	vlt.u32 v4, $0x18800  }
0x27: {  	[tilespmem:$0x70] =	vst v3;
	v3 =	vnsel vm4, $0xFFFFFFFE, v4  }
0x28: {  	s17 =	simm.s32 $0x20F0;
	[tilespmem:$0x80] =	vst v3  }
0x29: {  	v3 =	vld.msk [tilespmem:s17+$0x0 ss:$0x1], $0xffff;
	_ =	sdelay $0x4  }
0x2a: {  	(xrf1) =	vunique.msk.u32 $0xffff, v3;
	_ =	sdelay $0xd  }
0x2b: {  	v4 =	vimm.s32 $0xFFFFFFFF;
	v5, _, _ =	vpop (xrf1)  }
0x2c: {  	vm5 =	vne.s32 v3, v4;
	vm4 =	veq.s32 v5, v2  }
0x2d: {  	vm6 =	vlt.u32 v3, $0x18800;
	vm4 =	vmand vm5, vm4  }
0x2e: {  	vm4 =	vmand vm6, vm4  }
0x2f: {  	v4 =	vnsel vm4, $0xFFFFFFFF, v3;
	_ =	sdelay $0x3  }
0x30: {  	s0 =	simm.s32 $0x80F0;
	(ifvalue) =	ssetifvalue $0xFFFFFFFF  }
0x31: {  	v3 =	vperm.xlane v3, v1;
	[tilespmem:s0], [sflag:$0x8] =	stream.indirect_vreg.gather [hbm4b:s1+s14], $0x1, v4, vm0, $0x4038;
	v4 =	vnsel vm6, $0xFFFFFFFE, v4;
	[tilespmem:$0x12120] =	vst v63  }
0x32: {  	s2 =	simm.s32 $0x0;
	s16 =	simm.s32 $0x20E0;
	[tilespmem:s17+$0x0] =	vst v4  }
.LBB2_6:
0x33: {  	v4 =	vld.msk [tilespmem:s16+$0x0 ss:$0x1], $0xffff;
	s2 =	sadd.s32 $0x10, s2;
	v5 =	vmov v3;
	s17 =	smov.u32 s16  }
0x34: {  	p0 =	slt.u32 s2, $0x1FF0;
	_ =	sdelay $0x4  }
0x35: {  	v3 =	vperm.xlane v4, v1;
	(xrf1) =	vunique.msk.u32 $0xffff, v4;
	_ =	sdelay $0xd  }
0x36: {  	v6, _, _ =	vpop (xrf1)  }
0x37: {  	vm5 =	vne.s32 v4, v5;
	vm4 =	veq.s32 v6, v2  }
0x38: {  	vm6 =	vlt.u32 v4, $0x18800;
	vm4 =	vmand vm5, vm4  }
0x39: {  	vm4 =	vmand vm6, vm4  }
0x3a: {  	v4 =	vnsel vm4, $0xFFFFFFFF, v4  }
.Ltmp4:
0x3b: {  	v5 =	vnsel vm6, $0xFFFFFFFE, v4;
	(pc) =	sbr.rel @p0 .LBB2_6-.Ltmp4, $3  }
0x3c: {  	_ =	sdelay $0x1  }
0x3d: {  	s16 =	sadd.s32 $0xFFFFFFF0, s16;
	s0 =	sadd.s32 $0xFFFFFFF0, s0;
	(ifvalue) =	ssetifvalue $0xFFFFFFFF  }
0x3e: {  	[tilespmem:s0], [sflag:$0x8] =	stream.indirect_vreg.gather [hbm4b:s1+s14], $0x1, v4, vm0, $0x4038;
	[tilespmem:s17+$0x0] =	vst v5  }
.Ltmp5:
0x3f: {  	(pc) =	sbr.rel .LBB2_4-.Ltmp5, $4  }
0x40: {  	_ = 	snop  }
0x41: {  	s0 =	sshrl.u32 s30, $0x3  }
0x42: {  	s2 =	simm.s32 $0xA100;
	s0 =	sadd.s32 s5, s0  }
0x43: {  	[tilespmem:s2], [sflag:$0x8] =	stream.linear.gather [hbm:s0], $0x2000, $0x38;
	[tilespmem:$0x12120] =	vst v63  }
.LBB2_11:
0x44: {  	p0 =	seq.s32 s29, $0x2  }
.Ltmp6:
0x45: {  	_ = 	snop;
	(pc) =	sbr.rel @!p0 .LBB2_12-.Ltmp6, $1  }
0x46: {  	_ =	sdelay $0x3  }
0x47: {  	_ =	swait.ge [sflag:s7], $0x4000  }
0x48: {  	[sflag:s7] =	ssyncset.done $0x0  }
0x49: {  	s0 =	simm.s32 $0x20FF;
	[sflag:s7] =	ssyncadd.s32 $0xFFFFC000  }
0x4a: {  	[spmem:s11] =	stream.linear.scatter [tilespmem:s0], [sflag:$0x1], $0x1, $0x38;
	[tilespmem:$0x12120] =	vst v63  }
0x4b: {  	_ =	swait.ge [sflag:s3], $0x1  }
0x4c: {  	[sflag:s3] =	ssyncset.done $0x0  }
0x4d: {  	[sflag:s3] =	ssyncadd.s32 $0xFFFFFFFF  }
0x4e: {  	v4 =	vld [tilespmem:$0x10]  }
0x4f: {  	v5 =	vld [tilespmem:$0x70]  }
0x50: {  	v3 =	vld [tilespmem:$0x80];
	_ =	sdelay $0x2  }
0x51: {  	(v2sf) =	vpush v4, $0x0  }
0x52: {  	(v2sf) =	vpush v5, $0x0  }
0x53: {  	(v2sf) =	vpush v3, $0x0;
	_ =	sdelay $0xc  }
0x54: {  	s18 =	spop (v2sf)  }
0x55: {  	s2 =	spop (v2sf)  }
0x56: {  	s30 =	spop (v2sf)  }
0x57: {  	p0 =	seq.s32 s18, s2;
	p1 =	seq.s32 s30, s18  }
0x58: {  	p1 =	por p0, p1  }
0x59: {  	s2 =	simm.s32 $0x10;
	v4 =	vpsel p1, $0xFFFFFFFF, v4  }
0x5a: {  	[tilespmem:s2+$0x0] =	vst.msk $0x1, v4  }
0x5b: {  	v4 =	vld [tilespmem:$0x30]  }
0x5c: {  	v5 =	vld [tilespmem:$0xA100]  }
0x5d: {  	v6 =	vld [tilespmem:$0x40];
	_ =	sdelay $0x3  }
0x5e: {  	vm4 =	vmmov vm1;
	vm6 =	vmmov vm2;
	vm5 =	vgt.s32 v4, v5  }
0x5f: {  	s16 =	simm.s32 $0xA100;
	vm4 =	vmmov @p0 vm2;
	v5 =	vsel vm5, v4, v5;
	vm5 =	vgt.s32 v4, v6  }
0x60: {  	vm6 =	vmmov @p1 vm1;
	v4 =	vsel vm5, v4, v6;
	[tilespmem:s16+$0x0] =	vst.msk vm4, v5  }
0x61: {  	[tilespmem:s19+$0x0] =	vst.msk vm6, v4  }
0x62: {  	v4 =	vld [tilespmem:$0x80F0];
	_ =	sdelay $0x4  }
0x63: {  	v4 =	vshift.insert v4, v1, s20;
	_ =	sdelay $0x1  }
0x64: {  	v5 =	vimm.s32 $0x80000000;
	[tilespmem:s21+$0x0] =	vst.msk $0x1, v4  }
0x65: {  	[tilespmem:s22+$0x0] =	vst.msk $0x1, v5  }
0x66: {  	v4 =	vld [tilespmem:$0x20F0];
	_ =	sdelay $0x4  }
0x67: {  	v4 =	vshift.insert v4, v1, s20;
	_ =	sdelay $0x1  }
0x68: {  	[tilespmem:s23+$0x0] =	vst.msk $0x1, v4  }
0x69: {  	v6 =	vld [tilespmem:s16+$0x0]  }
0x6a: {  	s17 =	simm.s32 $0x100  }
0x6b: {  	v7 =	vld [tilespmem:s17+$0x0];
	_ =	sdelay $0x2  }
0x6c: {  	vm4 =	vgt.s32 v6, v5  }
0x6d: {  	v5 =	vsel vm4, v6, v5  }
0x6e: {  	vm4 =	vne.s32 v7, $0xFFFFFFFF;
	v5 =	vxor.u32 $0x80000000, v5  }
0x6f: {  	(xrf0) =	vmax.seg.scan.u32 vm4, v5  }
0x70: {  	s18 =	simm.s32 $0x6100  }
0x71: {  	v8 =	vld [tilespmem:s18+$0x0]  }
0x72: {  	v6 =	vld [tilespmem:$0xA0];
	_ =	sdelay $0x2  }
0x73: {  	v5 =	vperm.xlane v4, v1;
	v9, _, _ =	vpop (xrf0)  }
0x74: {  	vm6 =	veq.s32 v7, v3;
	v9 =	vxor.u32 $0x80000000, v9  }
0x75: {  	vm8 =	veq.s32 v7, v5;
	vm5 =	veq.s32 v6, $0x1;
	vm7 =	vgt.s32 v9, v8  }
0x76: {  	vm8 =	vmor vm8, vm6;
	v6 =	vsel vm7, v9, v8;
	vm7 =	vgt.u32 v7, $0xFFFFFFFD  }
0x77: {  	v10 =	vld [tilespmem:$0x90];
	vm9 =	vmand vm4, vm3;
	vm4 =	vmor vm5, vm6;
	vm5 =	vmor vm8, vm7  }
0x78: {  	v8 =	vsel vm5, $0xFFFFFFFF, v7;
	_ =	sdelay $0x1  }
0x79: {  	s31 =	simm.s32 $0xE100  }
0x7a: {  	s0 =	simm.s32 $0x0;
	s2 =	simm.s32 $0xA110;
	s16 =	simm.s32 $0x110;
	v11 =	vsel vm9, $0x80000000, v9;
	v6 =	vsel vm6, v9, v6  }
0x7b: {  	s17 =	simm.s32 $0xE110;
	s18 =	simm.s32 $0x6110;
	[tilespmem:s31+$0x0] =	vst v6;
	v6 =	vsel vm6, v9, v10;
	v7 =	vshift.insert v11, v0, s20;
	(ifvalue) =	ssetifvalue $0xFFFFFFFF  }
.LBB2_9:
0x7c: {  	[hbm4b:s1+s14] =	stream.indirect_vreg.scatter [tilespmem:s31], [sflag:$0x2], $0x1, v8, vm0, $0x4038;
	[tilespmem:$0x12120] =	vst v63  }
0x7d: {  	s0 =	sadd.s32 $0x10, s0;
	s31 =	smov.u32 s17;
	v8 =	vld [tilespmem:s2+$0x0]  }
0x7e: {  	p0 =	slt.u32 s0, $0x1FF0  }
0x7f: {  	v9 =	vld [tilespmem:s16+$0x0];
	_ =	sdelay $0x2  }
0x80: {  	vm5 =	vgt.s32 v8, v7  }
0x81: {  	v7 =	vsel vm5, v8, v7  }
0x82: {  	vm5 =	vne.s32 v9, $0xFFFFFFFF;
	v7 =	vxor.u32 $0x80000000, v7  }
0x83: {  	(xrf0) =	vmax.seg.scan.u32 vm5, v7;
	_ =	sdelay $0x2  }
0x84: {  	v7 =	vld [tilespmem:s18+$0x0];
	_ =	sdelay $0x1  }
0x85: {  	vm6 =	veq.s32 v9, v3;
	vm7 =	veq.s32 v9, v5  }
0x86: {  	vm8 =	vgt.u32 v9, $0xFFFFFFFD;
	vm4 =	vmor vm4, vm6;
	vm7 =	vmor vm7, vm6;
	v8, _, _ =	vpop (xrf0)  }
0x87: {  	vm5 =	vmand vm5, vm3;
	vm7 =	vmor vm7, vm8;
	v10 =	vxor.u32 $0x80000000, v8  }
.Ltmp7:
0x88: {  	v8 =	vsel vm7, $0xFFFFFFFF, v9;
	vm7 =	vgt.s32 v10, v7;
	v9 =	vsel vm5, $0x80000000, v10;
	(pc) =	sbr.rel @p0 .LBB2_9-.Ltmp7, $4  }
0x89: {  	v6 =	vsel vm6, v10, v6;
	v11 =	vsel vm7, v10, v7;
	v7 =	vshift.insert v9, v0, s20  }
0x8a: {  	v9 =	vsel vm6, v10, v11  }
0x8b: {  	s2 =	sadd.s32 $0x10, s2;
	s16 =	sadd.s32 $0x10, s16;
	[tilespmem:s17+$0x0] =	vst v9  }
0x8c: {  	s18 =	sadd.s32 $0x10, s18;
	s17 =	sadd.s32 $0x10, s17;
	(ifvalue) =	ssetifvalue $0xFFFFFFFF  }
0x8d: {  	_ =	sdelay $0x3  }
0x8e: {  	[hbm4b:s1+s14] =	stream.indirect_vreg.scatter [tilespmem:s31], [sflag:$0x2], $0x1, v8, vm0, $0x4038;
	[tilespmem:$0x12120] =	vst v63  }
0x8f: {  	v3 =	vld [tilespmem:$0x100F0];
	_ =	sdelay $0x4  }
0x90: {  	v3 =	vshift.insert v3, v1, s20;
	_ =	sdelay $0x1  }
0x91: {  	[tilespmem:s24+$0x0] =	vst.msk $0x1, v3  }
0x92: {  	v3 =	vsel vm4, $0x1, v1;
	[tilespmem:$0x90] =	vst v6  }
0x93: {  	[tilespmem:$0xA0] =	vst v3  }
0x94: {  	[spmem:s12] =	stream.linear.scatter [tilespmem:s25], [sflag:$0x1], $0x1, $0x38;
	[tilespmem:$0x12120] =	vst v63  }
0x95: {  	v3 =	vmctz.xlane vm4;
	_ =	swait.ge [sflag:s3], $0x1  }
0x96: {  	(v2sf) =	vpush v4, $0x0  }
0x97: {  	(v2sf) =	vpush v3, $0x0;
	_ =	sdelay $0xd  }
0x98: {  	s0 =	spop (v2sf)  }
0x99: {  	s2 =	spop (v2sf)  }
0x9a: {  	[sflag:s3] =	ssyncset.done $0x0;
	p0 =	sne.s32 s30, s0;
	p1 =	slt.s32 s2, $0xF  }
0x9b: {  	[sflag:s3] =	ssyncadd.s32 $0xFFFFFFFF;
	v3 =	vimm.s32 @!p0 $0xFFFFFFFF;
	s2 =	simm.s32 @!p1 $0xF  }
0x9c: {  	[tilespmem:$0x80] =	vst @!p0 v3;
	s31 =	sadd.s32 $0x90, s2  }
0x9d: {  	[spmem:s10] =	stream.linear.scatter [tilespmem:s31], [sflag:$0x1], $0x1, $0x38;
	[tilespmem:$0x12120] =	vst v63  }
0x9e: {  	_ =	swait.ge [sflag:s3], $0x1  }
0x9f: {  	[sflag:s3] =	ssyncset.done $0x0  }
0xa0: {  	[sflag:s3] =	ssyncadd.s32 $0xFFFFFFFF  }
0xa1: {  	[spmem:s13] =	stream.linear.scatter [tilespmem:s26], [sflag:$0x1], $0x1, $0x38;
	[tilespmem:$0x12120] =	vst v63  }
0xa2: {  	_ =	swait.ge [sflag:s3], $0x1  }
0xa3: {  	[sflag:s3] =	ssyncset.done $0x0  }
0xa4: {  	[sflag:s3] =	ssyncadd.s32 $0xFFFFFFFF;
	(ifvalue) =	ssetifvalue $0xFFFFFFFF;
	v3 =	vld [tilespmem:$0x10];
	_ =	sdelay $0x3  }
.Ltmp8:
0xa5: {  	_ = 	snop;
	(pc) =	sbr.rel .LBB2_4-.Ltmp8, $3  }
0xa6: {  	_ =	sdelay $0x1  }
0xa7: {  	(ifvalue) =	ssetifvalue $0xFFFFFFFF  }
0xa8: {  	[hbm4b:s1+s14] =	stream.indirect_vreg.scatter [tilespmem:s19], [sflag:$0x9], $0x1, v3, vm0, $0x4038;
	[tilespmem:$0x12120] =	vst v63  }
.LBB2_12:
0xa9: {  	s0 =	simm.s32 $0x2  }
0xaa: {  	_ =	swait.ge [sflag:s0], $0x2000  }
0xab: {  	[sflag:s0] =	ssyncset.done $0x0  }
0xac: {  	s31 =	simm.s32 $0x9;
	[sflag:s0] =	ssyncadd.s32 $0xFFFFE000  }
0xad: {  	_ =	swait.ge [sflag:s31], $0x10  }
0xae: {  	[sflag:s31] =	ssyncset.done $0x0  }
0xaf: {  	[sflag:s31] =	ssyncadd.s32 $0xFFFFFFF0  }
.LBB2_13:
0xb0: {  	_ =	sfence.sel $0x180000  }
0xb1: {  	s0 =	simm.s32 $0x7;
	[bflag:$0x0] =	sbarrier.arrive $0xFFFF  }
0xb2: {  	s26 =	simm.s32 $0x8;
	[sflag:s0] =	ssyncpa.u1 $0x1  }
0xb3: {  	s28 =	simm.s32 $0x9;
	[sflag:s26] =	ssyncpa.u1 $0x1  }
0xb4: {  	[sflag:s28] =	ssyncpa.u1 $0x1  }
0xb5: {  	_ =	sfence.stream.spmem  }
0xb6: {  	s29 =	simm.s32 $0x3;
	[bflag:$0x0] =	sbarrier.arrive $0xFFFF  }
0xb7: {  	s30 =	simm.s32 $0x4;
	[sflag:s29] =	ssyncpa.u1 $0x1  }
0xb8: {  	s31 =	simm.s32 $0x3C;
	s2 =	stileid.u32;
	[sflag:s30] =	ssyncpa.u1 $0x1  }
0xb9: {  	p0 =	sne.s32 s2, $0x0;
	[sflag:s31] =	ssyncpa.u1 $0x1  }
0xba: {  	s0 =	simm.s32 @p0 $0x1;
	_ =	sfence @p0  }
0xbb: {  	[sflag:s0] =	ssyncpa.u1 @p0 $0x1;
	s0 =	simm.s32 @p0 $0x2  }
0xbc: {  	[sflag:s0] =	ssyncpa.u1 @p0 $0x1  }
0xbd: {  	_ =	strace @p0 $0x90000050  }
0xbe: {  	[bflag:$0x2] =	sbarrier.arrive @p0 $0xFFFF  }
0xbf: {  	_ =	shalt @p0  }
.LBB2_14:
0xc0: {  	_ =	sfence.stream.spmem;
	s0 =	simm.s32 $0x5  }
0xc1: {  	s2 =	simm.s32 $0x80;
	s3 =	simm.s32 $0xC0;
	[sflag:s0] =	ssyncpa.u1 $0x0  }
0xc2: {  	[tilespmem:s3], [sflag:$0x5] =	stream.linear.gather [spmem:s2], $0x20, $0x38;
	[tilespmem:$0x12120] =	vst v63  }
0xc3: {  	s30 =	simm.s32 $0xE0;
	s2 =	simm.s32 $0x0  }
0xc4: {  	[tilespmem:s30], [sflag:$0x5] =	stream.linear.gather [spmem:s2], $0x20, $0x38;
	[tilespmem:$0x12120] =	vst v63  }
.Ltmp9:
0xc5: {  	_ = 	snop;
	(pc) =	sbr.rel .LBB2_15-.Ltmp9, $4  }
0xc6: {  	_ =	swait.ge [sflag:s0], $0x40  }
0xc7: {  	[sflag:s0] =	ssyncset.done $0x0  }
0xc8: {  	s31 =	simm.s32 $0x6;
	[sflag:s0] =	ssyncadd.s32 $0xFFFFFFC0  }
0xc9: {  	s3 =	simm.s32 $0x0;
	[sflag:s31] =	ssyncpa.u1 $0x0  }
.LBB2_20:
0xca: {  	p0 =	sgt.u32 s4, $0x187FF  }
0xcb: {  	s0 =	sshrl.u32 @!p0 s4, $0x3  }
0xcc: {  	s4 =	sand.u32 @!p0 $0x7, s4;
	s5 =	simm.s32 @!p0 $0xB0;
	s0 =	sadd.s32 @!p0 s1, s0  }
0xcd: {  	[tilespmem:s5], [sflag:$0x6] =	stream.linear.gather @!p0 [hbm4b:s0+s4], $0x1, $0x38;
	[tilespmem:$0x12120] =	vst v63  }
0xce: {  	s0 =	simm.s32 @!p0 $0x6  }
0xcf: {  	_ =	swait.ge @!p0 [sflag:s0], $0x1  }
0xd0: {  	[sflag:s0] =	ssyncset.done @!p0 $0x0  }
0xd1: {  	[sflag:s0] =	ssyncadd.s32 @!p0 $0xFFFFFFFF  }
0xd2: {  	v1 =	vld.msk @!p0 [tilespmem:$0xB0], $0x1  }
0xd3: {  	v2 =	vld.msk @!p0 [tilespmem:s3+$0xE0], $0x1;
	_ =	sdelay $0x4  }
0xd4: {  	vm0 =	vgt.s32 @!p0 v2, v1  }
0xd5: {  	v1 =	vsel @!p0 vm0, v2, v1  }
0xd6: {  	[tilespmem:s3+$0xE0] =	vst.msk @!p0 $0x1, v1  }
0xd7: {  	[tilespmem:s2+$0xC0] =	vst.msk $0x1, v0  }
0xd8: {  	v0 =	vld.msk [tilespmem:s3+$0xE0], $0x1;
	_ =	sdelay $0x4  }
0xd9: {  	[tilespmem:s2+$0xE0] =	vst.msk $0x1, v0;
	s2 =	sadd.s32 $0x1, s2  }
.LBB2_22:
0xda: {  	s3 =	sadd.s32 $0x1, s3  }
0xdb: {  	p0 =	sne.s32 s3, $0x20  }
.Ltmp10:
0xdc: {  	_ = 	snop;
	(pc) =	sbr.rel @!p0 .LBB2_23-.Ltmp10, $1  }
0xdd: {  	_ =	sdelay $0x3  }
.LBB2_15:
0xde: {  	v0 =	vld.msk [tilespmem:s3+$0xC0], $0x1;
	_ =	sdelay $0x4  }
0xdf: {  	(v2sf) =	vpush v0, $0x0;
	_ =	sdelay $0xe  }
0xe0: {  	s4 =	spop (v2sf)  }
0xe1: {  	p0 =	seq.s32 s4, $0xFFFFFFFF  }
.Ltmp11:
0xe2: {  	_ = 	snop;
	(pc) =	sbr.rel @p0 .LBB2_22-.Ltmp11, $1  }
0xe3: {  	_ =	sdelay $0x3  }
0xe4: {  	p0 =	slt.s32 s2, $0x1  }
.Ltmp12:
0xe5: {  	_ = 	snop;
	(pc) =	sbr.rel @p0 .LBB2_20-.Ltmp12, $1  }
0xe6: {  	_ =	sdelay $0x3  }
0xe7: {  	s0 =	simm.s32 $0xC0;
	p0 =	por $0x0, $0x0  }
0xe8: {  	v1 =	vld.msk @!p0 [tilespmem:s0+$0x0], $0x1;
	_ =	sdelay $0x4  }
0xe9: {  	(v2sf) =	vpush @!p0 v1, $0x0;
	_ =	sdelay $0xd  }
0xea: {  	p2 =	sne.s32 s2, $0x1  }
.Ltmp13:
0xeb: {  	s5 =	spop @!p0 (v2sf);
	(pc) =	sbr.rel @!p2 .LBB2_19-.Ltmp13, $4  }
0xec: {  	p1 =	seq.s32 @!p0 s4, s5  }
0xed: {  	s5 =	simm.s32 $0x0;
	p1 =	por !p1, p0  }
0xee: {  	s7 =	simm.s32 $0xFFFFFFFF;
	s5 =	simm.s32 @p1 $0xFFFFFFFF  }
0xef: {  	s6 =	simm.s32 $0x1;
	s5 =	smov.u32 @p0 s7  }
.LBB2_18:
0xf0: {  	s7 =	smov.u32 s5;
	p0 =	sne.s32 s5, $0xFFFFFFFF  }
0xf1: {  	s0 =	sadd.s32 $0x1, s0;
	s5 =	smov.u32 s6;
	s6 =	sadd.s32 $0x1, s6  }
0xf2: {  	p1 =	sne.s32 s2, s6;
	v1 =	vld.msk @!p0 [tilespmem:s0+$0x0], $0x1;
	_ =	sdelay $0x4  }
0xf3: {  	(v2sf) =	vpush @!p0 v1, $0x0;
	_ =	sdelay $0xe  }
.Ltmp14:
0xf4: {  	s8 =	spop @!p0 (v2sf);
	(pc) =	sbr.rel @p1 .LBB2_18-.Ltmp14, $4  }
0xf5: {  	p2 =	seq.s32 @!p0 s4, s8  }
0xf6: {  	p2 =	por !p2, p0  }
0xf7: {  	s5 =	simm.s32 @p2 $0xFFFFFFFF  }
0xf8: {  	s5 =	smov.u32 @p0 s7  }
.LBB2_19:
0xf9: {  	p0 =	sne.s32 s5, $0xFFFFFFFF  }
.Ltmp15:
0xfa: {  	_ = 	snop;
	(pc) =	sbr.rel @!p0 .LBB2_20-.Ltmp15, $1  }
0xfb: {  	_ =	sdelay $0x3  }
0xfc: {  	v0 =	vld.msk [tilespmem:s3+$0xE0], $0x1  }
0xfd: {  	v1 =	vld.msk [tilespmem:s5+$0xE0], $0x1;
	_ =	sdelay $0x2  }
.Ltmp16:
0xfe: {  	_ = 	snop;
	(pc) =	sbr.rel .LBB2_22-.Ltmp16, $4  }
0xff: {  	_ = 	snop  }
0x100: {  	vm0 =	vgt.s32 v1, v0  }
0x101: {  	v0 =	vsel vm0, v1, v0  }
0x102: {  	[tilespmem:s5+$0xE0] =	vst.msk $0x1, v0  }
.LBB2_23:
0x103: {  	p0 =	slt.s32 s2, $0x1  }
.Ltmp17:
0x104: {  	_ = 	snop;
	(pc) =	sbr.rel @p0 .LBB2_27-.Ltmp17, $3  }
0x105: {  	_ =	sdelay $0x1  }
0x106: {  	s0 =	simm.s32 $0x6  }
0x107: {  	[sflag:s0] =	ssyncpa.u1 $0x1;
	s0 =	simm.s32 $0x0  }
0x108: {  	s3 =	simm.s32 $0xC0  }
0x109: {  	v0 =	vld.msk [tilespmem:s3+$0x0], $0x1;
	_ =	sdelay $0x4  }
0x10a: {  	(v2sf) =	vpush v0, $0x0;
	_ =	sdelay $0xe  }
0x10b: {  	s2 =	sadd.s32 $0xFFFFFFFF, s2;
	s4 =	spop (v2sf)  }
0x10c: {  	p1 =	sne.s32 s2, $0x0;
	p0 =	sgt.u32 s4, $0x187FF  }
.Ltmp18:
0x10d: {  	s5 =	sshrl.u32 @!p0 s4, $0x3;
	(pc) =	sbr.rel @!p1 .LBB2_26-.Ltmp18, $4  }
0x10e: {  	s3 =	simm.s32 $0xE0;
	s4 =	sand.u32 @!p0 $0x7, s4;
	s5 =	sadd.s32 @!p0 s1, s5  }
0x10f: {  	[hbm4b:s5+s4] =	stream.linear.scatter @!p0 [tilespmem:s3], [sflag:$0x5], $0x1, $0x38;
	[tilespmem:$0x12120] =	vst v63  }
0x110: {  	s5 =	simm.s32 $0x0  }
0x111: {  	s4 =	simm.s32 $0xC1;
	s5 =	simm.s32 @!p0 $0x4  }
.LBB2_25:
0x112: {  	v0 =	vld.msk [tilespmem:s4+$0x0], $0x1;
	s2 =	sadd.s32 $0xFFFFFFFF, s2;
	s0 =	sadd.s32 s0, s5  }
0x113: {  	p0 =	sne.s32 s2, $0x0;
	_ =	sdelay $0x3  }
0x114: {  	(v2sf) =	vpush v0, $0x0;
	_ =	sdelay $0xe  }
.Ltmp19:
0x115: {  	s6 =	spop (v2sf);
	(pc) =	sbr.rel @p0 .LBB2_25-.Ltmp19, $4  }
0x116: {  	s5 =	simm.s32 $0x0;
	p1 =	sgt.u32 s6, $0x187FF  }
0x117: {  	s3 =	sadd.s32 $0x1, s3;
	s5 =	simm.s32 @!p1 $0x4;
	s7 =	sshrl.u32 @!p1 s6, $0x3  }
0x118: {  	s4 =	sadd.s32 $0x1, s4;
	s6 =	sand.u32 @!p1 $0x7, s6;
	s7 =	sadd.s32 @!p1 s1, s7  }
0x119: {  	[hbm4b:s7+s6] =	stream.linear.scatter @!p1 [tilespmem:s3], [sflag:$0x5], $0x1, $0x38;
	[tilespmem:$0x12120] =	vst v63  }
.LBB2_26:
0x11a: {  	s0 =	sadd.s32 s0, s5  }
0x11b: {  	s0 =	sshrl.u32 s0, $0x2  }
.LBB2_27:
0x11c: {  	s1 =	simm.s32 $0x5  }
0x11d: {  	_ =	swait.ge [sflag:s1], s0  }
0x11e: {  	s28 =	ssub.s32 $0x0, s0;
	[sflag:s1] =	ssyncset.done $0x0  }
0x11f: {  	[sflag:s1] =	ssyncadd.s32 s28  }
0x120: {  	[sflag:s1] =	ssyncpa.u1 $0x1  }
0x121: {  	s29 =	simm.s32 $0x1;
	_ =	sfence  }
0x122: {  	s30 =	simm.s32 $0x2;
	[sflag:s29] =	ssyncpa.u1 $0x1  }
0x123: {  	[sflag:s30] =	ssyncpa.u1 $0x1  }
0x124: {  	_ =	strace $0x90000050  }
0x125: {  	[bflag:$0x2] =	sbarrier.arrive $0xFFFF  }
0x126: {  	s31 =	rddreg [dreg:$0x2]  }
0x127: {  	s0 =	sadd.s32 $0x100000, s31  }
0x128: {  	[sflag:s0] =	ssyncadd.tile.s32 $0x1;
	_ =	shalt  }
.Lfunc_end2:
_tile_overlayer_lowered:
.L_overlay_start_2:
0x129: {  	(tag) =	ssettag $0x2  }
0x12a: {  	s0 =	rddreg [dreg:$0x0];
	s2 =	stileid.u32  }
0x12b: {  	s1 =	rddreg [dreg:$0x1];
	p0 =	sne.s32 s2, $0x0  }
0x12c: {  	s3 =	rddreg [dreg:$0x2];
	[bflag:$0x3] =	sbarrier.arrive $0xFFFF;
	s2 =	simm.s32 @!p0 $0x1C01  }
0x12d: {  	[timem:s3], [sflag:s2] =	dma.local @!p0 [hbm:s0], s1  }
0x12e: {  	s0 =	simm.s32 @!p0 $0x1  }
0x12f: {  	_ =	swait.ge @!p0 [sflag:s0], s1  }
0x130: {  	s1 =	ssub.s32 @!p0 $0x0, s1;
	[sflag:s0] =	ssyncset.done @!p0 $0x0  }
0x131: {  	[sflag:s0] =	ssyncadd.s32 @!p0 s1  }
0x132: {  	[bflag:$0x3] =	sbarrier.arrive $0xFFFF  }
0x133: {  	_ =	shalt  }

// kernel: scatter_offload_async_start
scs
__scs_entry_jumppad:
0x0: {  	(pc) =	sbr.rel $0x88, $3  }
0x1: {  	(tag) =	ssettag $0x0;
	lr =	simm.s32 $0x1  }
0x2: {  	[smem:$0x3F91] =	sst lr;
	_ =	strace $0xD0000000  }
0x3: {  	_ = 	snop  }
0x4: {  	_ = 	snop  }
0x5: {  	_ = 	snop  }
0x6: {  	_ = 	snop  }
0x7: {  	_ = 	snop  }
__scs_overlays_trampoline_lowered:
0x8: {  	[smem:$0x3FA0] =	sst s0  }
0x9: {  	[smem:$0x3FA1] =	sst s1  }
0xa: {  	[smem:$0x3FA2] =	sst s2  }
0xb: {  	[smem:$0x3FA3] =	sst s3  }
0xc: {  	[smem:$0x3FA4] =	sst s4  }
0xd: {  	[smem:$0x3FA5] =	sst s5  }
0xe: {  	[smem:$0x3FA6] =	sst s6  }
0xf: {  	[smem:$0x3FA7] =	sst s7  }
0x10: {  	[smem:$0x3FA8] =	sst s8  }
0x11: {  	[smem:$0x3FA9] =	sst s9;
	s0 =	simm.s32 @!p0 $0x0  }
0x12: {  	s1 =	sld [smem:$0x3F8F];
	s0 =	simm.s32 @p0 $0x1  }
0x13: {  	[smem:$0x3FAA] =	sst s0;
	s0 =	simm.s32 @!p1 $0x0  }
0x14: {  	s2 =	sld [smem:$0x3F8E];
	s0 =	simm.s32 @p1 $0x1  }
0x15: {  	[smem:$0x3FAB] =	sst s0;
	s0 =	simm.s32 @!p2 $0x0  }
0x16: {  	s3 =	sld [smem:$0x3FDB];
	s0 =	simm.s32 @p2 $0x1  }
0x17: {  	s4 =	simm.s32 $0x1BF5;
	[smem:$0x3FAD] =	sst s0  }
0x18: {  	s0 =	sld [smem:$0x3F90];
	_ =	swait.ge [sflag:s4], $0x0  }
0x19: {  	s7 =	sld [smem:$0x3F91]  }
0x1a: {  	s8 =	sadd.s32 $0xFFFFE003, lr  }
0x1b: {  	s9 =	sadd.s32 $0xFFFFFEF7, lr;
	s5 =	simm.s32 $0xFFFFFFFF;
	p2 =	slt.u32 s8, $0xFFFFF086  }
0x1c: {  	p1 =	slt.u32 s9, $0xF7A;
	s5 =	simm.s32 @!p2 $0x0  }
0x1d: {  	s5 =	simm.s32 @p1 $0x1;
	p0 =	seq.s32 s7, s2  }
0x1e: {  	s7 =	smul.u32 @!p0 $0xF7A, s2;
	p2 =	seq.s32 @!p0 s5, $0x0  }
0x1f: {  	s9 =	smul.u32 $0xF7A, s1;
	s8 =	simm.s32 @!p0 $0x1BF5;
	p2 =	por !p2, p0  }
0x20: {  	[sflag:s8] =	ssyncset.s32 @!p0 $0xFFFFF086;
	s6 =	sadd.s32 @!p0 s3, s7;
	s7 =	simm.s32 @!p0 $0x108  }
0x21: {  	s3 =	sadd.s32 s3, s9;
	s6 =	sadd.s32 @!p0 $0x88, s6;
	s7 =	simm.s32 @p2 $0x1082  }
0x22: {  	[simem:s7], [sflag:s8] =	dma.local @!p0 [hbm:s6], $0xF7A  }
0x23: {  	s9 =	sor.u32 $0xD0000000, s2;
	s6 =	simm.s32 $0x108;
	_ =	swait.ge @!p0 [sflag:s8], $0x0  }
0x24: {  	s3 =	sadd.s32 $0x88, s3;
	s6 =	simm.s32 @!p1 $0x1082;
	[sflag:s4] =	ssyncset.s32 $0xFFFFF086  }
0x25: {  	[simem:s6], [sflag:s4] =	dma.local [hbm:s3], $0xF7A  }
0x26: {  	[smem:$0x3F91] =	sst s1;
	(tag) =	ssettag s2;
	_ =	strace s9  }
0x27: {  	s1 =	sld [smem:$0x3FA1]  }
0x28: {  	s2 =	sld [smem:$0x3FA2]  }
0x29: {  	s4 =	sld [smem:$0x3FA4]  }
0x2a: {  	p0 =	seq.s32 s5, $0x0;
	s5 =	sld [smem:$0x3FA5]  }
0x2b: {  	s6 =	sld [smem:$0x3FA6]  }
0x2c: {  	s7 =	sld [smem:$0x3FA7]  }
0x2d: {  	s3 =	simm.s32 $0x108;
	s8 =	sld [smem:$0x3FA8]  }
0x2e: {  	s3 =	simm.s32 @!p0 $0x1082;
	s9 =	sld [smem:$0x3FA9]  }
0x2f: {  	lr =	sadd.s32 s0, s3;
	s0 =	sld [smem:$0x3FA0]  }
0x30: {  	s3 =	sld [smem:$0x3FA3]  }
0x31: {  	[smem:$0x3FAC] =	sst s10  }
0x32: {  	s10 =	sld [smem:$0x3FAA];
	_ =	sdelay $0x3  }
0x33: {  	p0 =	seq.s32 s10, $0x1;
	s10 =	sld [smem:$0x3FAC];
	_ =	sdelay $0x3  }
0x34: {  	[smem:$0x3FAC] =	sst s10  }
0x35: {  	s10 =	sld [smem:$0x3FAB];
	_ =	sdelay $0x3  }
0x36: {  	p1 =	seq.s32 s10, $0x1;
	s10 =	sld [smem:$0x3FAC];
	_ =	sdelay $0x3  }
0x37: {  	[smem:$0x3FAC] =	sst s10  }
0x38: {  	s10 =	sld [smem:$0x3FAD]  }
0x39: {  	_ = 	snop;
	(pc) =	sbr.ind lr, $3  }
0x3a: {  	_ = 	snop  }
0x3b: {  	_ = 	snop  }
0x3c: {  	p2 =	seq.s32 s10, $0x1;
	s10 =	sld [smem:$0x3FAC]  }
0x3d: {  	_ =	shalt  }
0x3e: {  	_ =	shalt  }
0x3f: {  	_ =	shalt  }
0x40: {  	_ =	shalt  }
0x41: {  	_ =	shalt  }
0x42: {  	_ =	shalt  }
0x43: {  	_ =	shalt  }
0x44: {  	_ =	shalt  }
0x45: {  	_ =	shalt  }
0x46: {  	_ =	shalt  }
0x47: {  	_ =	shalt  }
0x48: {  	_ =	shalt  }
0x49: {  	_ =	shalt  }
0x4a: {  	_ =	shalt  }
0x4b: {  	_ =	shalt  }
0x4c: {  	_ =	shalt  }
0x4d: {  	_ =	shalt  }
0x4e: {  	_ =	shalt  }
0x4f: {  	_ =	shalt  }
0x50: {  	_ =	shalt  }
0x51: {  	_ =	shalt  }
0x52: {  	_ =	shalt  }
0x53: {  	_ =	shalt  }
0x54: {  	_ =	shalt  }
0x55: {  	_ =	shalt  }
0x56: {  	_ =	shalt  }
0x57: {  	_ =	shalt  }
0x58: {  	_ =	shalt  }
0x59: {  	_ =	shalt  }
0x5a: {  	_ =	shalt  }
0x5b: {  	_ =	shalt  }
0x5c: {  	_ =	shalt  }
0x5d: {  	_ =	shalt  }
0x5e: {  	_ =	shalt  }
0x5f: {  	_ =	shalt  }
0x60: {  	_ =	shalt  }
0x61: {  	_ =	shalt  }
0x62: {  	_ =	shalt  }
0x63: {  	_ =	shalt  }
0x64: {  	_ =	shalt  }
0x65: {  	_ =	shalt  }
0x66: {  	_ =	shalt  }
0x67: {  	_ =	shalt  }
0x68: {  	_ =	shalt  }
0x69: {  	_ =	shalt  }
0x6a: {  	_ =	shalt  }
0x6b: {  	_ =	shalt  }
0x6c: {  	_ =	shalt  }
0x6d: {  	_ =	shalt  }
0x6e: {  	_ =	shalt  }
0x6f: {  	_ =	shalt  }
0x70: {  	_ =	shalt  }
0x71: {  	_ =	shalt  }
0x72: {  	_ =	shalt  }
0x73: {  	_ =	shalt  }
0x74: {  	_ =	shalt  }
0x75: {  	_ =	shalt  }
0x76: {  	_ =	shalt  }
0x77: {  	_ =	shalt  }
0x78: {  	_ =	shalt  }
0x79: {  	_ =	shalt  }
0x7a: {  	_ =	shalt  }
0x7b: {  	_ =	shalt  }
0x7c: {  	_ =	shalt  }
0x7d: {  	_ =	shalt  }
0x7e: {  	_ =	shalt  }
0x7f: {  	_ =	shalt  }
0x80: {  	_ =	shalt  }
0x81: {  	_ =	shalt  }
0x82: {  	_ =	shalt  }
0x83: {  	_ =	shalt  }
0x84: {  	_ =	shalt  }
0x85: {  	_ =	shalt  }
0x86: {  	_ =	shalt  }
0x87: {  	_ =	shalt  }
.Lfunc_end0:
.L_simem_size_0:
called_computation_lowered:
.L_overlay_start_0:
0x88: {  	s0 =	sld [smem:$0x3FD9]  }
0x89: {  	s1 =	sld [smem:$0x3FFE];
	_ =	sdelay $0x3  }
0x8a: {  	s0 =	sadd.s32 s1, s0  }
0x8b: {  	[smem:$0x3FB8] =	sst s0  }
0x8c: {  	_ = 	snop  }
0x8d: {  	s0 =	sld [smem:$0x3FD0];
	_ =	sdelay $0x2  }
0x8e: {  	s13 =	simm.s32 $0xA;
	s2 =	simm.s32 $0x10  }
0x8f: {  	[smem:s2], [sflag:s13] =	dma.local [hbm:s0], $0x1  }
0x90: {  	_ =	swait.eq [sflag:s13], $0x1  }
0x91: {  	[sflag:s13] =	ssyncset.done $0x0  }
0x92: {  	[sflag:s13] =	ssyncadd.s32 $0xFFFFFFFF  }
0x93: {  	s14 =	sld [smem:$0x16];
	(tm) =	ssettm $0x1  }
0x94: {  	s15 =	sld [smem:$0x3FFB];
	_ =	sdelay $0x3  }
0x95: {  	_ =	strace s15  }
0x96: {  	s1 =	sld [smem:$0x3FFC];
	_ =	sdelay $0x3  }
0x97: {  	_ =	strace s1  }
0x98: {  	s1 =	sld [smem:$0x3FFD];
	_ =	sdelay $0x3  }
0x99: {  	_ =	strace s1  }
0x9a: {  	_ =	strace $0x8FFFFFFF  }
0x9b: {  	s16 =	sld [smem:$0x3FDB];
	_ =	sdelay $0x1  }
0x9c: {  	s17 =	simm.s32 $_scs_section_size  }
0x9d: {  	s3 =	simm.s32 $_size__tile_overlayer_lowered;
	s4 =	simm.s32 $_tile_overlayer_lowered  }
0x9e: {  	s20 =	simm.s32 $0x1BFF;
	s19 =	sshll.u32 s4, $0x1;
	s1 =	sadd.s32 s17, s16  }
0x9f: {  	s5 =	simm.s32 $0x0;
	s18 =	sshll.u32 s3, $0x1;
	s3 =	sadd.s32 s19, s1  }
0xa0: {  	[timem:s5], [sflag:s20] =	dma.local [hbm:s3], s18  }
0xa1: {  	_ =	swait.ge [sflag:s20], s18  }
0xa2: {  	s2 =	ssub.s32 $0x0, s18;
	[sflag:s20] =	ssyncset.done $0x0  }
0xa3: {  	[sflag:s20] =	ssyncadd.s32 s2;
	_ =	sdelay $0x1  }
0xa4: {  	s21 =	simm.s32 $0x1B8B  }
0xa5: {  	_ =	swait.ge [sflag:s21], $0x1  }
0xa6: {  	[sflag:s21] =	ssyncset.done $0x0  }
0xa7: {  	s23 =	simm.s32 $0x1B8E;
	s22 =	sld [smem:$0x3FFE];
	[sflag:s21] =	ssyncadd.s32 $0xFFFFFFFF  }
0xa8: {  	s24 =	simm.s32 $execute0_lowered;
	[smem:$0x3FD2] =	sst s23  }
0xa9: {  	s3 =	sshll.u32 s24, $0x1;
	_ =	strace $0x80000049;
	[dreg:$0x1] =	wrdreg $0xFFFFFFFF  }
0xaa: {  	s25 =	simm.s32 $_size_execute0_lowered;
	s1 =	sadd.s32 s1, s3;
	[dreg:$0x0] =	wrdreg $0x0  }
0xab: {  	s3 =	sshll.u32 s25, $0x1;
	[dreg:$0x2] =	wrdreg s1  }
0xac: {  	[dreg:$0x3] =	wrdreg s3  }
0xad: {  	[dreg:$0x4] =	wrdreg $0xC0  }
0xae: {  	_ =	task [dreg:s5], $0x5FFFF  }
0xaf: {  	[dreg:$0x1] =	wrdreg $0xFFFFFFFF  }
0xb0: {  	[dreg:$0x0] =	wrdreg $0x60  }
0xb1: {  	[dreg:$0x2] =	wrdreg s14  }
0xb2: {  	[dreg:$0x3] =	wrdreg s22  }
0xb3: {  	[dreg:$0x4] =	wrdreg $0x9  }
0xb4: {  	_ =	task.clear_ibuf [dreg:s5], $0x5FFFF;
	_ =	strace $0x90000049  }
0xb5: {  	s26 =	simm.s32 $0x9;
	_ =	strace $0x8000004B  }
0xb6: {  	_ =	swait.ge [sflag:s26], $0x1  }
0xb7: {  	[sflag:s26] =	ssyncadd.s32 $0xFFFFFFFF  }
0xb8: {  	_ =	strace $0x9000004B  }
0xb9: {  	_ =	sfence  }
0xba: {  	s28 =	sld [smem:$0x0];
	_ =	sdelay $0x1  }
0xbb: {  	s29 =	srdreg.scid  }
0xbc: {  	s30 =	sshll.u32 s29, $0xD;
	s31 =	sshrl.u32 s29, $0x2  }
0xbd: {  	s2 =	sand.u32 $0x4000, s30;
	s1 =	sand.u32 $0x1, s29;
	s0 =	sadd.s32 s31, s28  }
0xbe: {  	s1 =	sor.u32 s2, s1;
	s0 =	sshll.u32 s0, $0x11  }
0xbf: {  	s0 =	sor.u32 s0, s1  }
0xc0: {  	s0 =	sadd.s32 $0x8F2B, s0  }
0xc1: {  	[sflag:s0] =	ssyncadd.remote.s32 $0x1  }
0xc2: {  	_ =	sfence.sel $0xFFFF  }
0xc3: {  	[dreg:$0x0] =	wrdreg $0xFFFFFFFF;
	(pc) =	sbr.abs _section_cstart, $3  }
0xc4: {  	[dreg:$0x1] =	wrdreg $0xFFFFFFFF  }
0xc5: {  	_ =	task.clear_ibuf [dreg:s5], $0x2FFFF;
	_ =	strace $0x9FFFFFFF  }
0xc6: {  	(tm) =	ssettm $0x7FFFFFFF  }
0xc7: {  	_ =	shalt  }
tec
execute0_lowered:
.L_overlay_start_1:
0x0: {  	(tag) =	ssettag $0x1  }
0x1: {  	s1 =	rddreg [dreg:$0x0]  }
0x2: {  	s0 =	rddreg [dreg:$0x1];
	_ =	strace $0x8000004A;
	s3 =	simm.s32 $0x1  }
0x3: {  	v1 =	vimm.s32 $0xFFFFFFFF;
	[sflag:s3] =	ssyncpa.u1 $0x0  }
0x4: {  	[tilespmem:$0x10] =	vst v1  }
0x5: {  	v0 =	vimm.f32 $0.0e+00;
	[tilespmem:$0x20] =	vst v1  }
0x6: {  	[tilespmem:$0x30] =	vst v0  }
0x7: {  	s2 =	simm.s32 $0x2;
	s6 =	simm.s32 $0x7;
	[tilespmem:$0x40] =	vst v0  }
0x8: {  	s26 =	stileid.u32;
	s7 =	simm.s32 $0x8;
	s31 =	simm.s32 $0x9;
	[tilespmem:$0x50] =	vst v0  }
0x9: {  	s14 =	simm.s32 $0x0;
	s15 =	simm.s32 $0x100;
	s18 =	simm.s32 $0x10;
	[tilespmem:$0x60] =	vst v1  }
0xa: {  	s19 =	simm.s32 $0x12100;
	s20 =	simm.s32 $0xF;
	s21 =	simm.s32 $0x50;
	[tilespmem:$0x70] =	vst v1  }
0xb: {  	s22 =	simm.s32 $0x80FF;
	s23 =	simm.s32 $0x20;
	s24 =	simm.s32 $0x30;
	[tilespmem:$0x80] =	vst v1  }
0xc: {  	s25 =	simm.s32 $0x100FF;
	s30 =	simm.s32 $0x0;
	s4 =	sadd.s32 $0x21C400, s0;
	v1 =	vimm.s32 $0x0;
	[tilespmem:$0xB0] =	vst v0  }
.Ltmp0:
0xd: {  	s29 =	simm.s32 $0x0;
	s5 =	sadd.s32 $0x220400, s0;
	[tilespmem:$0x90] =	vst v1;
	(pc) =	sbr.rel .LBB2_1-.Ltmp0, $4  }
0xe: {  	s8 =	sshll.u32 s26, $0xD;
	s10 =	sshll.u32 s26, $0x1;
	[tilespmem:$0xA0] =	vst v1;
	[sflag:s2] =	ssyncpa.u1 $0x0  }
0xf: {  	s12 =	sshllo.u32 s26, $0x1;
	s26 =	simm.s32 $0x80;
	[sflag:s6] =	ssyncpa.u1 $0x0  }
0x10: {  	vm0 =	vmmov $0xffff;
	v2 =	vlaneseq.u32;
	s9 =	sadd.s32 $0x2000, s8;
	s11 =	sor.u32 $0x81, s10;
	[sflag:s7] =	ssyncpa.u1 $0x0  }
0x11: {  	vm1 =	vmxor vm1, vm1;
	vm2 =	vmmov $0x1;
	vm3 =	vcmask $0x3F3C;
	s13 =	sor.u32 $0x80, s10;
	s28 =	smov.u32 s8;
	[sflag:s31] =	ssyncpa.u1 $0x0  }
.LBB2_3:
0x12: {  	s0 =	sshrl.u32 s28, $0x3  }
0x13: {  	s2 =	sand.u32 $0x7, s28;
	s0 =	sadd.s32 s4, s0  }
0x14: {  	[tilespmem:s15], [sflag:$0x7] =	stream.linear.gather [hbm4b:s0+s2], $0x2000, $0x38;
	[tilespmem:$0x12120] =	vst v63  }
.LBB2_4:
0x15: {  	s0 =	sadd.s32 $0x2000, s28  }
0x16: {  	s2 =	smov.u32 s8;
	s29 =	sadd.s32 $0x1, s29;
	p0 =	slt.s32 s0, s9  }
0x17: {  	s2 =	smov.u32 @p0 s0;
	p0 =	sne.s32 s29, $0x4  }
.Ltmp1:
0x18: {  	_ = 	snop;
	(pc) =	sbr.rel @!p0 .LBB2_13-.Ltmp1, $2  }
0x19: {  	_ =	sdelay $0x2  }
0x1a: {  	s30 =	smov.u32 s28;
	s28 =	smov.u32 s2  }
.LBB2_1:
0x1b: {  	p0 =	sgt.s32 s29, $0x1  }
.Ltmp2:
0x1c: {  	_ = 	snop;
	(pc) =	sbr.rel @p0 .LBB2_11-.Ltmp2, $1  }
0x1d: {  	_ =	sdelay $0x3  }
0x1e: {  	p0 =	seq.s32 s29, $0x0  }
.Ltmp3:
0x1f: {  	_ = 	snop;
	(pc) =	sbr.rel @p0 .LBB2_3-.Ltmp3, $1  }
0x20: {  	_ =	sdelay $0x3  }
0x21: {  	_ =	swait.ge [sflag:s6], $0x2000  }
0x22: {  	[sflag:s6] =	ssyncset.done $0x0  }
0x23: {  	[sflag:s6] =	ssyncadd.s32 $0xFFFFE000;
	(ifvalue) =	ssetifvalue $0xFFFFFFFF;
	v3 =	vld.msk [tilespmem:s15+$0x0 ss:$0x1], $0xffff;
	_ =	sdelay $0x4  }
0x24: {  	v4 =	vperm.xlane v3, v1  }
0x25: {  	vm4 =	vlt.u32 v3, $0x1000  }
0x26: {  	v3 =	vnsel vm4, $0xFFFFFFFE, v3;
	vm4 =	vlt.u32 v4, $0x1000  }
0x27: {  	[tilespmem:$0x70] =	vst v3;
	v3 =	vnsel vm4, $0xFFFFFFFE, v4  }
0x28: {  	s17 =	simm.s32 $0x20F0;
	[tilespmem:$0x80] =	vst v3  }
0x29: {  	v3 =	vld.msk [tilespmem:s17+$0x0 ss:$0x1], $0xffff;
	_ =	sdelay $0x4  }
0x2a: {  	(xrf1) =	vunique.msk.u32 $0xffff, v3;
	_ =	sdelay $0xd  }
0x2b: {  	v4 =	vimm.s32 $0xFFFFFFFF;
	v5, _, _ =	vpop (xrf1)  }
0x2c: {  	vm5 =	vne.s32 v3, v4;
	vm4 =	veq.s32 v5, v2  }
0x2d: {  	vm6 =	vlt.u32 v3, $0x1000;
	vm4 =	vmand vm5, vm4  }
0x2e: {  	vm4 =	vmand vm6, vm4  }
0x2f: {  	v4 =	vnsel vm4, $0xFFFFFFFF, v3;
	_ =	sdelay $0x3  }
0x30: {  	s0 =	simm.s32 $0x80F0;
	(ifvalue) =	ssetifvalue $0xFFFFFFFF  }
0x31: {  	v3 =	vperm.xlane v3, v1;
	[tilespmem:s0], [sflag:$0x8] =	stream.indirect_vreg.gather [hbm4b:s1+s14], $0x1, v4, vm0, $0x4038;
	v4 =	vnsel vm6, $0xFFFFFFFE, v4;
	[tilespmem:$0x12120] =	vst v63  }
0x32: {  	s2 =	simm.s32 $0x0;
	s16 =	simm.s32 $0x20E0;
	[tilespmem:s17+$0x0] =	vst v4  }
.LBB2_6:
0x33: {  	v4 =	vld.msk [tilespmem:s16+$0x0 ss:$0x1], $0xffff;
	s2 =	sadd.s32 $0x10, s2;
	v5 =	vmov v3;
	s17 =	smov.u32 s16  }
0x34: {  	p0 =	slt.u32 s2, $0x1FF0;
	_ =	sdelay $0x4  }
0x35: {  	v3 =	vperm.xlane v4, v1;
	(xrf1) =	vunique.msk.u32 $0xffff, v4;
	_ =	sdelay $0xd  }
0x36: {  	v6, _, _ =	vpop (xrf1)  }
0x37: {  	vm5 =	vne.s32 v4, v5;
	vm4 =	veq.s32 v6, v2  }
0x38: {  	vm6 =	vlt.u32 v4, $0x1000;
	vm4 =	vmand vm5, vm4  }
0x39: {  	vm4 =	vmand vm6, vm4  }
0x3a: {  	v4 =	vnsel vm4, $0xFFFFFFFF, v4  }
.Ltmp4:
0x3b: {  	v5 =	vnsel vm6, $0xFFFFFFFE, v4;
	(pc) =	sbr.rel @p0 .LBB2_6-.Ltmp4, $3  }
0x3c: {  	_ =	sdelay $0x1  }
0x3d: {  	s16 =	sadd.s32 $0xFFFFFFF0, s16;
	s0 =	sadd.s32 $0xFFFFFFF0, s0;
	(ifvalue) =	ssetifvalue $0xFFFFFFFF  }
0x3e: {  	[tilespmem:s0], [sflag:$0x8] =	stream.indirect_vreg.gather [hbm4b:s1+s14], $0x1, v4, vm0, $0x4038;
	[tilespmem:s17+$0x0] =	vst v5  }
.Ltmp5:
0x3f: {  	(pc) =	sbr.rel .LBB2_4-.Ltmp5, $4  }
0x40: {  	_ = 	snop  }
0x41: {  	s0 =	sshrl.u32 s30, $0x3  }
0x42: {  	s2 =	simm.s32 $0xA100;
	s0 =	sadd.s32 s5, s0  }
0x43: {  	[tilespmem:s2], [sflag:$0x8] =	stream.linear.gather [hbm:s0], $0x2000, $0x38;
	[tilespmem:$0x12120] =	vst v63  }
.LBB2_11:
0x44: {  	p0 =	seq.s32 s29, $0x2  }
.Ltmp6:
0x45: {  	_ = 	snop;
	(pc) =	sbr.rel @!p0 .LBB2_12-.Ltmp6, $1  }
0x46: {  	_ =	sdelay $0x3  }
0x47: {  	_ =	swait.ge [sflag:s7], $0x4000  }
0x48: {  	[sflag:s7] =	ssyncset.done $0x0  }
0x49: {  	s0 =	simm.s32 $0x20FF;
	[sflag:s7] =	ssyncadd.s32 $0xFFFFC000  }
0x4a: {  	[spmem:s11] =	stream.linear.scatter [tilespmem:s0], [sflag:$0x1], $0x1, $0x38;
	[tilespmem:$0x12120] =	vst v63  }
0x4b: {  	_ =	swait.ge [sflag:s3], $0x1  }
0x4c: {  	[sflag:s3] =	ssyncset.done $0x0  }
0x4d: {  	[sflag:s3] =	ssyncadd.s32 $0xFFFFFFFF  }
0x4e: {  	v4 =	vld [tilespmem:$0x10]  }
0x4f: {  	v5 =	vld [tilespmem:$0x70]  }
0x50: {  	v3 =	vld [tilespmem:$0x80];
	_ =	sdelay $0x2  }
0x51: {  	(v2sf) =	vpush v4, $0x0  }
0x52: {  	(v2sf) =	vpush v5, $0x0  }
0x53: {  	(v2sf) =	vpush v3, $0x0;
	_ =	sdelay $0xc  }
0x54: {  	s16 =	spop (v2sf)  }
0x55: {  	s2 =	spop (v2sf)  }
0x56: {  	s30 =	spop (v2sf)  }
0x57: {  	p0 =	seq.s32 s16, s2;
	p1 =	seq.s32 s30, s16  }
0x58: {  	p1 =	por p0, p1  }
0x59: {  	v4 =	vpsel p1, $0xFFFFFFFF, v4  }
0x5a: {  	[tilespmem:s18+$0x0] =	vst.msk $0x1, v4  }
0x5b: {  	v4 =	vld [tilespmem:$0x30]  }
0x5c: {  	v5 =	vld [tilespmem:$0xA100]  }
0x5d: {  	v6 =	vld [tilespmem:$0x40];
	_ =	sdelay $0x3  }
0x5e: {  	vm4 =	vmmov vm1;
	v5 =	vadd.f32 v5, v4  }
0x5f: {  	vm5 =	vmmov vm2;
	s31 =	simm.s32 $0xA100;
	vm4 =	vmmov @p0 vm2;
	v4 =	vadd.f32 v6, v4  }
0x60: {  	vm5 =	vmmov @p1 vm1;
	[tilespmem:s31+$0x0] =	vst.msk vm4, v5  }
0x61: {  	[tilespmem:s19+$0x0] =	vst.msk vm5, v4  }
0x62: {  	v4 =	vld [tilespmem:$0x80F0];
	_ =	sdelay $0x3  }
0x63: {  	v5 =	vimm.f32 $0.0e+00  }
0x64: {  	v4 =	vshift.insert v4, v5, s20;
	_ =	sdelay $0x1  }
0x65: {  	[tilespmem:s21+$0x0] =	vst.msk $0x1, v4  }
0x66: {  	[tilespmem:s22+$0x0] =	vst.msk $0x1, v5  }
0x67: {  	v4 =	vld [tilespmem:$0x20F0];
	_ =	sdelay $0x4  }
0x68: {  	v4 =	vshift.insert v4, v1, s20;
	_ =	sdelay $0x1  }
0x69: {  	[tilespmem:s23+$0x0] =	vst.msk $0x1, v4  }
0x6a: {  	s17 =	simm.s32 $0x100;
	v6 =	vld [tilespmem:s31+$0x0]  }
0x6b: {  	v7 =	vld [tilespmem:s17+$0x0];
	_ =	sdelay $0x3  }
0x6c: {  	v5 =	vadd.f32 v6, v5  }
0x6d: {  	vm4 =	vne.s32 v7, $0xFFFFFFFF  }
0x6e: {  	(xrf2) =	vadd.seg.scan.f32 vm4, v5;
	_ =	sdelay $0x3  }
0x6f: {  	s0 =	simm.s32 $0x6100;
	v5 =	vperm.xlane v4, v1  }
0x70: {  	v6 =	vld [tilespmem:s0+$0x0]  }
0x71: {  	vm5 =	veq.s32 v7, v3;
	vm6 =	veq.s32 v7, v5  }
0x72: {  	vm7 =	vgt.u32 v7, $0xFFFFFFFD;
	vm6 =	vmor vm6, vm5  }
0x73: {  	vm6 =	vmor vm6, vm7  }
0x74: {  	v9 =	vld [tilespmem:$0xA0];
	v7 =	vsel vm6, $0xFFFFFFFF, v7  }
0x75: {  	v10 =	vld [tilespmem:$0x90];
	v6 =	vsel vm5, $0x0, v6;
	v8, _, _ =	vpop (xrf2)  }
0x76: {  	v6 =	vadd.f32 v8, v6  }
0x77: {  	s2 =	simm.s32 $0xE100  }
0x78: {  	vm4 =	vmand vm4, vm3;
	[tilespmem:s2+$0x0] =	vst v6;
	(ifvalue) =	ssetifvalue $0xFFFFFFFF  }
0x79: {  	vm6 =	veq.s32 v9, $0x1;
	[hbm4b:s1+s14] =	stream.indirect_vreg.scatter [tilespmem:s2], [sflag:$0x2], $0x1, v7, vm0, $0x4038;
	v7 =	vsel vm4, $0x0, v8;
	[tilespmem:$0x12120] =	vst v63  }
0x7a: {  	s16 =	simm.s32 $0x0;
	s17 =	simm.s32 $0x110;
	vm4 =	vmor vm6, vm5;
	v6 =	vsel vm5, v8, v10;
	v7 =	vshift.insert v7, v0, s20  }
.LBB2_9:
0x7b: {  	v8 =	vld [tilespmem:s17+$0x0];
	s31 =	sadd.s32 $0x10, s31  }
0x7c: {  	s0 =	sadd.s32 $0x10, s0;
	v9 =	vld [tilespmem:s31+$0x0]  }
0x7d: {  	s16 =	sadd.s32 $0x10, s16;
	v10 =	vld [tilespmem:s0+$0x0]  }
0x7e: {  	p0 =	slt.u32 s16, $0x1FF0;
	_ =	sdelay $0x2  }
0x7f: {  	v7 =	vadd.f32 v9, v7  }
0x80: {  	vm5 =	vne.s32 v8, $0xFFFFFFFF  }
0x81: {  	vm6 =	vmand vm5, vm3;
	(xrf2) =	vadd.seg.scan.f32 vm5, v7;
	_ =	sdelay $0x5  }
0x82: {  	vm7 =	veq.s32 v8, v5;
	vm5 =	veq.s32 v8, v3  }
0x83: {  	vm8 =	vgt.u32 v8, $0xFFFFFFFD;
	vm4 =	vmor vm4, vm5;
	vm7 =	vmor vm7, vm5  }
0x84: {  	vm7 =	vmor vm7, vm8  }
0x85: {  	v8 =	vsel vm7, $0xFFFFFFFF, v8  }
.Ltmp7:
0x86: {  	v7 =	vsel vm5, $0x0, v10;
	v9, _, _ =	vpop (xrf2);
	(pc) =	sbr.rel @p0 .LBB2_9-.Ltmp7, $4  }
0x87: {  	v6 =	vsel vm5, v9, v6;
	v10 =	vadd.f32 v9, v7;
	v7 =	vsel vm6, $0x0, v9  }
0x88: {  	s2 =	sadd.s32 $0x10, s2;
	v7 =	vshift.insert v7, v0, s20  }
0x89: {  	s17 =	sadd.s32 $0x10, s17;
	[tilespmem:s2+$0x0] =	vst v10;
	(ifvalue) =	ssetifvalue $0xFFFFFFFF  }
0x8a: {  	[hbm4b:s1+s14] =	stream.indirect_vreg.scatter [tilespmem:s2], [sflag:$0x2], $0x1, v8, vm0, $0x4038;
	[tilespmem:$0x12120] =	vst v63  }
0x8b: {  	v3 =	vld [tilespmem:$0x100F0];
	_ =	sdelay $0x4  }
0x8c: {  	v3 =	vshift.insert v3, v0, s20;
	_ =	sdelay $0x1  }
0x8d: {  	[tilespmem:s24+$0x0] =	vst.msk $0x1, v3  }
0x8e: {  	v3 =	vsel vm4, $0x1, v1;
	[tilespmem:$0x90] =	vst v6  }
0x8f: {  	[tilespmem:$0xA0] =	vst v3  }
0x90: {  	[spmem:s12] =	stream.linear.scatter [tilespmem:s25], [sflag:$0x1], $0x1, $0x38;
	[tilespmem:$0x12120] =	vst v63  }
0x91: {  	v3 =	vmctz.xlane vm4;
	_ =	swait.ge [sflag:s3], $0x1  }
0x92: {  	(v2sf) =	vpush v4, $0x0  }
0x93: {  	(v2sf) =	vpush v3, $0x0;
	_ =	sdelay $0xd  }
0x94: {  	s0 =	spop (v2sf)  }
0x95: {  	s2 =	spop (v2sf)  }
0x96: {  	[sflag:s3] =	ssyncset.done $0x0;
	p0 =	sne.s32 s30, s0;
	p1 =	slt.s32 s2, $0xF  }
0x97: {  	[sflag:s3] =	ssyncadd.s32 $0xFFFFFFFF;
	v3 =	vimm.s32 @!p0 $0xFFFFFFFF;
	s2 =	simm.s32 @!p1 $0xF  }
0x98: {  	[tilespmem:$0x80] =	vst @!p0 v3;
	s31 =	sadd.s32 $0x90, s2  }
0x99: {  	[spmem:s10] =	stream.linear.scatter [tilespmem:s31], [sflag:$0x1], $0x1, $0x38;
	[tilespmem:$0x12120] =	vst v63  }
0x9a: {  	_ =	swait.ge [sflag:s3], $0x1  }
0x9b: {  	[sflag:s3] =	ssyncset.done $0x0  }
0x9c: {  	[sflag:s3] =	ssyncadd.s32 $0xFFFFFFFF  }
0x9d: {  	[spmem:s13] =	stream.linear.scatter [tilespmem:s26], [sflag:$0x1], $0x1, $0x38;
	[tilespmem:$0x12120] =	vst v63  }
0x9e: {  	_ =	swait.ge [sflag:s3], $0x1  }
0x9f: {  	[sflag:s3] =	ssyncset.done $0x0  }
0xa0: {  	[sflag:s3] =	ssyncadd.s32 $0xFFFFFFFF;
	(ifvalue) =	ssetifvalue $0xFFFFFFFF;
	v3 =	vld [tilespmem:$0x10];
	_ =	sdelay $0x3  }
.Ltmp8:
0xa1: {  	_ = 	snop;
	(pc) =	sbr.rel .LBB2_4-.Ltmp8, $3  }
0xa2: {  	_ =	sdelay $0x1  }
0xa3: {  	(ifvalue) =	ssetifvalue $0xFFFFFFFF  }
0xa4: {  	[hbm4b:s1+s14] =	stream.indirect_vreg.scatter [tilespmem:s19], [sflag:$0x9], $0x1, v3, vm0, $0x4038;
	[tilespmem:$0x12120] =	vst v63  }
.LBB2_12:
0xa5: {  	s0 =	simm.s32 $0x2  }
0xa6: {  	_ =	swait.ge [sflag:s0], $0x2000  }
0xa7: {  	[sflag:s0] =	ssyncset.done $0x0  }
0xa8: {  	s31 =	simm.s32 $0x9;
	[sflag:s0] =	ssyncadd.s32 $0xFFFFE000  }
0xa9: {  	_ =	swait.ge [sflag:s31], $0x10  }
0xaa: {  	[sflag:s31] =	ssyncset.done $0x0  }
0xab: {  	[sflag:s31] =	ssyncadd.s32 $0xFFFFFFF0  }
.LBB2_13:
0xac: {  	_ =	sfence.sel $0x180000  }
0xad: {  	s0 =	simm.s32 $0x7;
	[bflag:$0x0] =	sbarrier.arrive $0xFFFF  }
0xae: {  	s26 =	simm.s32 $0x8;
	[sflag:s0] =	ssyncpa.u1 $0x1  }
0xaf: {  	s28 =	simm.s32 $0x9;
	[sflag:s26] =	ssyncpa.u1 $0x1  }
0xb0: {  	[sflag:s28] =	ssyncpa.u1 $0x1  }
0xb1: {  	_ =	sfence.stream.spmem  }
0xb2: {  	s29 =	simm.s32 $0x3;
	[bflag:$0x0] =	sbarrier.arrive $0xFFFF  }
0xb3: {  	s30 =	simm.s32 $0x4;
	[sflag:s29] =	ssyncpa.u1 $0x1  }
0xb4: {  	s31 =	simm.s32 $0x3C;
	s2 =	stileid.u32;
	[sflag:s30] =	ssyncpa.u1 $0x1  }
0xb5: {  	p0 =	sne.s32 s2, $0x0;
	[sflag:s31] =	ssyncpa.u1 $0x1  }
0xb6: {  	s0 =	simm.s32 @p0 $0x1;
	_ =	sfence @p0  }
0xb7: {  	[sflag:s0] =	ssyncpa.u1 @p0 $0x1;
	s0 =	simm.s32 @p0 $0x2  }
0xb8: {  	[sflag:s0] =	ssyncpa.u1 @p0 $0x1  }
0xb9: {  	_ =	strace @p0 $0x9000004A  }
0xba: {  	[bflag:$0x2] =	sbarrier.arrive @p0 $0xFFFF  }
0xbb: {  	_ =	shalt @p0  }
.LBB2_14:
0xbc: {  	_ =	sfence.stream.spmem;
	s0 =	simm.s32 $0x5  }
0xbd: {  	s2 =	simm.s32 $0x80;
	s3 =	simm.s32 $0xC0;
	[sflag:s0] =	ssyncpa.u1 $0x0  }
0xbe: {  	[tilespmem:s3], [sflag:$0x5] =	stream.linear.gather [spmem:s2], $0x20, $0x38;
	[tilespmem:$0x12120] =	vst v63  }
0xbf: {  	s2 =	simm.s32 $0x0;
	s3 =	simm.s32 $0xE0  }
0xc0: {  	[tilespmem:s3], [sflag:$0x5] =	stream.linear.gather [spmem:s2], $0x20, $0x38;
	[tilespmem:$0x12120] =	vst v63  }
.Ltmp9:
0xc1: {  	_ = 	snop;
	(pc) =	sbr.rel .LBB2_15-.Ltmp9, $4  }
0xc2: {  	_ =	swait.ge [sflag:s0], $0x40  }
0xc3: {  	[sflag:s0] =	ssyncset.done $0x0  }
0xc4: {  	s31 =	simm.s32 $0x6;
	[sflag:s0] =	ssyncadd.s32 $0xFFFFFFC0  }
0xc5: {  	s4 =	simm.s32 $0x0;
	[sflag:s31] =	ssyncpa.u1 $0x0  }
.LBB2_20:
0xc6: {  	p0 =	sgt.u32 s0, $0xFFF  }
0xc7: {  	s5 =	sshrl.u32 @!p0 s0, $0x3  }
0xc8: {  	s0 =	sand.u32 @!p0 $0x7, s0;
	s6 =	simm.s32 @!p0 $0xB0;
	s5 =	sadd.s32 @!p0 s1, s5  }
0xc9: {  	[tilespmem:s6], [sflag:$0x6] =	stream.linear.gather @!p0 [hbm4b:s5+s0], $0x1, $0x38;
	[tilespmem:$0x12120] =	vst v63  }
0xca: {  	s0 =	simm.s32 @!p0 $0x6  }
0xcb: {  	_ =	swait.ge @!p0 [sflag:s0], $0x1  }
0xcc: {  	[sflag:s0] =	ssyncset.done @!p0 $0x0  }
0xcd: {  	[sflag:s0] =	ssyncadd.s32 @!p0 $0xFFFFFFFF  }
0xce: {  	v2 =	vmov @!p0 s4;
	v1 =	vld.msk @!p0 [tilespmem:$0xB0], $0x1;
	_ =	sdelay $0x3  }
0xcf: {  	s0 =	simm.s32 @!p0 $0xE0  }
0xd0: {  	[tilespmem:v2+s0+$0x0], v1 =	vst.idx.ret.add.f32.msk @!p0 $0x1, v1  }
0xd1: {  	[tilespmem:s2+$0xC0] =	vst.msk $0x1, v0  }
0xd2: {  	v0 =	vld.msk [tilespmem:s4+$0xE0], $0x1;
	_ =	sdelay $0x4  }
0xd3: {  	[tilespmem:s2+$0xE0] =	vst.msk $0x1, v0;
	s2 =	sadd.s32 $0x1, s2  }
.LBB2_22:
0xd4: {  	s4 =	sadd.s32 $0x1, s4  }
0xd5: {  	p0 =	sne.s32 s4, $0x20  }
.Ltmp10:
0xd6: {  	_ = 	snop;
	(pc) =	sbr.rel @!p0 .LBB2_23-.Ltmp10, $1  }
0xd7: {  	_ =	sdelay $0x3  }
.LBB2_15:
0xd8: {  	v0 =	vld.msk [tilespmem:s4+$0xC0], $0x1;
	_ =	sdelay $0x4  }
0xd9: {  	(v2sf) =	vpush v0, $0x0;
	_ =	sdelay $0xe  }
0xda: {  	s0 =	spop (v2sf)  }
0xdb: {  	p0 =	seq.s32 s0, $0xFFFFFFFF  }
.Ltmp11:
0xdc: {  	_ = 	snop;
	(pc) =	sbr.rel @p0 .LBB2_22-.Ltmp11, $1  }
0xdd: {  	_ =	sdelay $0x3  }
0xde: {  	p0 =	slt.s32 s2, $0x1  }
.Ltmp12:
0xdf: {  	_ = 	snop;
	(pc) =	sbr.rel @p0 .LBB2_20-.Ltmp12, $1  }
0xe0: {  	_ =	sdelay $0x3  }
0xe1: {  	s5 =	simm.s32 $0xC0;
	p0 =	por $0x0, $0x0  }
0xe2: {  	v1 =	vld.msk @!p0 [tilespmem:s5+$0x0], $0x1;
	_ =	sdelay $0x4  }
0xe3: {  	(v2sf) =	vpush @!p0 v1, $0x0;
	_ =	sdelay $0xd  }
0xe4: {  	p2 =	sne.s32 s2, $0x1  }
.Ltmp13:
0xe5: {  	s6 =	spop @!p0 (v2sf);
	(pc) =	sbr.rel @!p2 .LBB2_19-.Ltmp13, $4  }
0xe6: {  	p1 =	seq.s32 @!p0 s0, s6  }
0xe7: {  	s6 =	simm.s32 $0x0;
	p1 =	por !p1, p0  }
0xe8: {  	s8 =	simm.s32 $0xFFFFFFFF;
	s6 =	simm.s32 @p1 $0xFFFFFFFF  }
0xe9: {  	s7 =	simm.s32 $0x1;
	s6 =	smov.u32 @p0 s8  }
.LBB2_18:
0xea: {  	s8 =	smov.u32 s6;
	p0 =	sne.s32 s6, $0xFFFFFFFF  }
0xeb: {  	s5 =	sadd.s32 $0x1, s5;
	s6 =	smov.u32 s7;
	s7 =	sadd.s32 $0x1, s7  }
0xec: {  	p1 =	sne.s32 s2, s7;
	v1 =	vld.msk @!p0 [tilespmem:s5+$0x0], $0x1;
	_ =	sdelay $0x4  }
0xed: {  	(v2sf) =	vpush @!p0 v1, $0x0;
	_ =	sdelay $0xe  }
.Ltmp14:
0xee: {  	s9 =	spop @!p0 (v2sf);
	(pc) =	sbr.rel @p1 .LBB2_18-.Ltmp14, $4  }
0xef: {  	p2 =	seq.s32 @!p0 s0, s9  }
0xf0: {  	p2 =	por !p2, p0  }
0xf1: {  	s6 =	simm.s32 @p2 $0xFFFFFFFF  }
0xf2: {  	s6 =	smov.u32 @p0 s8  }
.LBB2_19:
0xf3: {  	p0 =	sne.s32 s6, $0xFFFFFFFF  }
.Ltmp15:
0xf4: {  	_ = 	snop;
	(pc) =	sbr.rel @!p0 .LBB2_20-.Ltmp15, $1  }
0xf5: {  	_ =	sdelay $0x3  }
0xf6: {  	v0 =	vld.msk [tilespmem:s4+$0xE0], $0x1;
	v1 =	vmov s6  }
.Ltmp16:
0xf7: {  	_ = 	snop;
	(pc) =	sbr.rel .LBB2_22-.Ltmp16, $2  }
0xf8: {  	_ =	sdelay $0x2  }
0xf9: {  	[tilespmem:v1+s3+$0x0], v0 =	vst.idx.ret.add.f32.msk $0x1, v0  }
.LBB2_23:
0xfa: {  	p0 =	slt.s32 s2, $0x1  }
.Ltmp17:
0xfb: {  	_ = 	snop;
	(pc) =	sbr.rel @p0 .LBB2_27-.Ltmp17, $3  }
0xfc: {  	_ =	sdelay $0x1  }
0xfd: {  	s0 =	simm.s32 $0x6  }
0xfe: {  	[sflag:s0] =	ssyncpa.u1 $0x1;
	s0 =	simm.s32 $0x0  }
0xff: {  	s3 =	simm.s32 $0xC0  }
0x100: {  	v0 =	vld.msk [tilespmem:s3+$0x0], $0x1;
	_ =	sdelay $0x4  }
0x101: {  	(v2sf) =	vpush v0, $0x0;
	_ =	sdelay $0xe  }
0x102: {  	s2 =	sadd.s32 $0xFFFFFFFF, s2;
	s4 =	spop (v2sf)  }
0x103: {  	p1 =	sne.s32 s2, $0x0;
	p0 =	sgt.u32 s4, $0xFFF  }
.Ltmp18:
0x104: {  	s5 =	sshrl.u32 @!p0 s4, $0x3;
	(pc) =	sbr.rel @!p1 .LBB2_26-.Ltmp18, $4  }
0x105: {  	s3 =	simm.s32 $0xE0;
	s4 =	sand.u32 @!p0 $0x7, s4;
	s5 =	sadd.s32 @!p0 s1, s5  }
0x106: {  	[hbm4b:s5+s4] =	stream.linear.scatter @!p0 [tilespmem:s3], [sflag:$0x5], $0x1, $0x38;
	[tilespmem:$0x12120] =	vst v63  }
0x107: {  	s5 =	simm.s32 $0x0  }
0x108: {  	s4 =	simm.s32 $0xC1;
	s5 =	simm.s32 @!p0 $0x4  }
.LBB2_25:
0x109: {  	v0 =	vld.msk [tilespmem:s4+$0x0], $0x1;
	s2 =	sadd.s32 $0xFFFFFFFF, s2;
	s0 =	sadd.s32 s0, s5  }
0x10a: {  	p0 =	sne.s32 s2, $0x0;
	_ =	sdelay $0x3  }
0x10b: {  	(v2sf) =	vpush v0, $0x0;
	_ =	sdelay $0xe  }
.Ltmp19:
0x10c: {  	s6 =	spop (v2sf);
	(pc) =	sbr.rel @p0 .LBB2_25-.Ltmp19, $4  }
0x10d: {  	s5 =	simm.s32 $0x0;
	p1 =	sgt.u32 s6, $0xFFF  }
0x10e: {  	s3 =	sadd.s32 $0x1, s3;
	s5 =	simm.s32 @!p1 $0x4;
	s7 =	sshrl.u32 @!p1 s6, $0x3  }
0x10f: {  	s4 =	sadd.s32 $0x1, s4;
	s6 =	sand.u32 @!p1 $0x7, s6;
	s7 =	sadd.s32 @!p1 s1, s7  }
0x110: {  	[hbm4b:s7+s6] =	stream.linear.scatter @!p1 [tilespmem:s3], [sflag:$0x5], $0x1, $0x38;
	[tilespmem:$0x12120] =	vst v63  }
.LBB2_26:
0x111: {  	s0 =	sadd.s32 s0, s5  }
0x112: {  	s0 =	sshrl.u32 s0, $0x2  }
.LBB2_27:
0x113: {  	s1 =	simm.s32 $0x5  }
0x114: {  	_ =	swait.ge [sflag:s1], s0  }
0x115: {  	s28 =	ssub.s32 $0x0, s0;
	[sflag:s1] =	ssyncset.done $0x0  }
0x116: {  	[sflag:s1] =	ssyncadd.s32 s28  }
0x117: {  	[sflag:s1] =	ssyncpa.u1 $0x1  }
0x118: {  	s29 =	simm.s32 $0x1;
	_ =	sfence  }
0x119: {  	s30 =	simm.s32 $0x2;
	[sflag:s29] =	ssyncpa.u1 $0x1  }
0x11a: {  	[sflag:s30] =	ssyncpa.u1 $0x1  }
0x11b: {  	_ =	strace $0x9000004A  }
0x11c: {  	[bflag:$0x2] =	sbarrier.arrive $0xFFFF  }
0x11d: {  	s31 =	rddreg [dreg:$0x2]  }
0x11e: {  	s0 =	sadd.s32 $0x100000, s31  }
0x11f: {  	[sflag:s0] =	ssyncadd.tile.s32 $0x1;
	_ =	shalt  }
.Lfunc_end2:
_tile_overlayer_lowered:
.L_overlay_start_2:
0x120: {  	(tag) =	ssettag $0x2  }
0x121: {  	s0 =	rddreg [dreg:$0x0];
	s2 =	stileid.u32  }
0x122: {  	s1 =	rddreg [dreg:$0x1];
	p0 =	sne.s32 s2, $0x0  }
0x123: {  	s3 =	rddreg [dreg:$0x2];
	[bflag:$0x3] =	sbarrier.arrive $0xFFFF;
	s2 =	simm.s32 @!p0 $0x1C01  }
0x124: {  	[timem:s3], [sflag:s2] =	dma.local @!p0 [hbm:s0], s1  }
0x125: {  	s0 =	simm.s32 @!p0 $0x1  }
0x126: {  	_ =	swait.ge @!p0 [sflag:s0], s1  }
0x127: {  	s1 =	ssub.s32 @!p0 $0x0, s1;
	[sflag:s0] =	ssyncset.done @!p0 $0x0  }
0x128: {  	[sflag:s0] =	ssyncadd.s32 @!p0 s1  }
0x129: {  	[bflag:$0x3] =	sbarrier.arrive $0xFFFF  }
0x12a: {  	_ =	shalt  }

</sc_bundles>
